<compile_context>
chip_gen: v7x
topology: tpu7x:2x2x1
jax: 0.10.2.dev20260603
libtpu: 0.0.44.dev20260713+nightly
codegen_flags: <defaults>
</compile_context>

<pallas_src>
import functools

import jax
import jax.numpy as jnp
from jax import lax
from jax.experimental import pallas as pl
from jax.experimental.pallas import tpu as pltpu
from jax.experimental.pallas import tpu_sc as plsc

_N = 10000
_E = 320000
_H = 128
_NUM_STATIONS = 10000

_NW = 32
_C = 80
_NCH_W = _E // _NW // _C
_RPT = 624
_TAIL = _N - 16 * _RPT
_TAILBASE = 16 * _RPT

_R = 1000
_CB = 2048


def _deg_kernel_body(ones_hbm, dst_hbm, out_hbm, didx, onesv, acc, ssem):
    cid = lax.axis_index("c")
    sid = lax.axis_index("s")
    wid = cid * 16 + sid
    base = sid * _RPT
    pltpu.sync_copy(ones_hbm.at[pl.ds(base, _RPT)], acc.at[pl.ds(base, _RPT)])

    @pl.when(sid == 15)
    def _():
        pltpu.sync_copy(ones_hbm.at[pl.ds(_TAILBASE, _TAIL)],
                        acc.at[pl.ds(_TAILBASE, _TAIL)])

    pltpu.sync_copy(dst_hbm.at[wid], didx)
    pltpu.sync_copy(ones_hbm.at[pl.ds(0, _C)], onesv)
    plsc.subcore_barrier()

    def body(j, carry):
        pltpu.async_copy(onesv, acc.at[didx.at[j]], ssem, add=True)

        @pl.when(j >= 4)
        def _():
            pltpu.make_async_copy(onesv, acc.at[didx.at[j - 4]], ssem).wait()

        return carry

    lax.fori_loop(0, _NCH_W, body, 0)

    def drain(j, carry):
        pltpu.make_async_copy(onesv, acc.at[didx.at[j]], ssem).wait()
        return carry

    lax.fori_loop(_NCH_W - 4, _NCH_W, drain, 0)
    plsc.subcore_barrier()
    pltpu.sync_copy(acc.at[pl.ds(base, _RPT)],
                    out_hbm.at[cid, pl.ds(base, _RPT)])

    @pl.when(sid == 15)
    def _():
        pltpu.sync_copy(acc.at[pl.ds(_TAILBASE, _TAIL)],
                        out_hbm.at[cid, pl.ds(_TAILBASE, _TAIL)])


def _edge_kernel_body(z_hbm, e_hbm, out_hbm, idx, rows, acc, isem, gsem,
                      ssem):
    cid = lax.axis_index("c")
    sid = lax.axis_index("s")
    wid = cid * 16 + sid
    base = sid * _RPT
    pltpu.sync_copy(z_hbm.at[pl.ds(base, _RPT)], acc.at[pl.ds(base, _RPT)])

    @pl.when(sid == 15)
    def _():
        pltpu.sync_copy(z_hbm.at[pl.ds(_TAILBASE, _TAIL)],
                        acc.at[pl.ds(_TAILBASE, _TAIL)])

    plsc.subcore_barrier()

    pltpu.async_copy(e_hbm.at[wid, 0], idx.at[0], isem)
    pltpu.async_copy(e_hbm.at[wid, 1], idx.at[1], isem)
    pltpu.make_async_copy(e_hbm.at[wid, 0], idx.at[0], isem).wait()
    pltpu.async_copy(z_hbm.at[idx.at[0, 0]], rows.at[0], gsem)

    def body(j, carry):
        s3 = lax.rem(j, 3)
        s2 = lax.rem(j, 2)
        pltpu.make_async_copy(z_hbm.at[idx.at[s3, 0]], rows.at[s2],
                              gsem).wait()

        @pl.when(j >= 1)
        def _():
            pltpu.make_async_copy(rows.at[1 - s2],
                                  acc.at[idx.at[lax.rem(j + 2, 3), 1]],
                                  ssem).wait()

        @pl.when(j < _NCH_W - 1)
        def _():
            n3 = lax.rem(j + 1, 3)
            pltpu.make_async_copy(e_hbm.at[wid, j + 1], idx.at[n3],
                                  isem).wait()
            pltpu.async_copy(z_hbm.at[idx.at[n3, 0]], rows.at[1 - s2], gsem)

        @pl.when(j < _NCH_W - 2)
        def _():
            pltpu.async_copy(e_hbm.at[wid, j + 2], idx.at[lax.rem(j + 2, 3)],
                             isem)

        pltpu.async_copy(rows.at[s2], acc.at[idx.at[s3, 1]], ssem, add=True)
        return carry

    lax.fori_loop(0, _NCH_W, body, 0)
    pltpu.make_async_copy(rows.at[(_NCH_W - 1) % 2],
                          acc.at[idx.at[(_NCH_W - 1) % 3, 1]], ssem).wait()
    plsc.subcore_barrier()
    pltpu.sync_copy(acc.at[pl.ds(base, _RPT)],
                    out_hbm.at[cid, pl.ds(base, _RPT)])

    @pl.when(sid == 15)
    def _():
        pltpu.sync_copy(acc.at[pl.ds(_TAILBASE, _TAIL)],
                        out_hbm.at[cid, pl.ds(_TAILBASE, _TAIL)])


@functools.cache
def _sc_kernels():
    mesh = plsc.VectorSubcoreMesh(core_axis_name="c", subcore_axis_name="s")
    deg = pl.kernel(
        _deg_kernel_body,
        mesh=mesh,
        out_type=jax.ShapeDtypeStruct((2, _N, 16), jnp.float32),
        scratch_types=[
            pltpu.VMEM((_NCH_W, _C), jnp.int32),
            pltpu.VMEM((_C, 16), jnp.float32),
            pltpu.VMEM_SHARED((_N, 16), jnp.float32),
            pltpu.SemaphoreType.DMA,
        ],
    )
    edge = pl.kernel(
        _edge_kernel_body,
        mesh=mesh,
        out_type=jax.ShapeDtypeStruct((2, _N, _H), jnp.float32),
        scratch_types=[
            pltpu.VMEM((3, 2, _C), jnp.int32),
            pltpu.VMEM((2, _C, _H), jnp.float32),
            pltpu.VMEM_SHARED((_N, _H), jnp.float32),
            pltpu.SemaphoreType.DMA,
            pltpu.SemaphoreType.DMA,
            pltpu.SemaphoreType.DMA,
        ],
    )
    return deg, edge



def _deg_dinv(degp_ref):
    deg = (jnp.max(degp_ref[0], axis=-1) + jnp.max(degp_ref[1], axis=-1)
           - 1.0)
    return lax.rsqrt(deg)


def _tc1_body(x_ref, wp_ref, bp_ref, w1_ref, degp_ref, z_ref):
    h = jnp.maximum(
        jnp.dot(x_ref[...], wp_ref[...], preferred_element_type=jnp.float32)
        + bp_ref[...], 0.0)
    dinv = _deg_dinv(degp_ref)
    z_ref[...] = jnp.dot(h, w1_ref[...],
                         preferred_element_type=jnp.float32) * dinv[:, None]


def _tc1(x, wp, bp, w1, degp):
    return pl.pallas_call(
        _tc1_body,
        grid=(_N // _R,),
        in_specs=[
            pl.BlockSpec((_R, _H), lambda i: (i, 0)),
            pl.BlockSpec((_H, _H), lambda i: (0, 0)),
            pl.BlockSpec((1, _H), lambda i: (0, 0)),
            pl.BlockSpec((_H, _H), lambda i: (0, 0)),
            pl.BlockSpec((2, _R, 16), lambda i: (0, i, 0)),
        ],
        out_specs=pl.BlockSpec((_R, _H), lambda i: (i, 0)),
        out_shape=jax.ShapeDtypeStruct((_N, _H), jnp.float32),
    )(x, wp, bp, w1, degp)


def _tc2_body(aggp_ref, z1_ref, degp_ref, b1_ref, w2_ref, z2_ref):
    dinv = _deg_dinv(degp_ref)
    s = aggp_ref[0] + aggp_ref[1] - z1_ref[...]
    h1 = jnp.maximum(s * dinv[:, None] + b1_ref[...], 0.0)
    z2_ref[...] = jnp.dot(h1, w2_ref[...],
                          preferred_element_type=jnp.float32) * dinv[:, None]


def _tc2(aggp, z1, degp, b1, w2):
    return pl.pallas_call(
        _tc2_body,
        grid=(_N // _R,),
        in_specs=[
            pl.BlockSpec((2, _R, _H), lambda i: (0, i, 0)),
            pl.BlockSpec((_R, _H), lambda i: (i, 0)),
            pl.BlockSpec((2, _R, 16), lambda i: (0, i, 0)),
            pl.BlockSpec((1, _H), lambda i: (0, 0)),
            pl.BlockSpec((_H, _H), lambda i: (0, 0)),
        ],
        out_specs=pl.BlockSpec((_R, _H), lambda i: (i, 0)),
        out_shape=jax.ShapeDtypeStruct((_N, _H), jnp.float32),
    )(aggp, z1, degp, b1, w2)


def _tc34_body(aggp_ref, z2_ref, degp_ref, b2_ref,
               wc_ref, bc_ref, whl_ref, bhl_ref, wmlt_ref, bmlt_ref,
               wsl_ref, bsl_ref, wp1_ref, bp1_ref, wp2_ref, bp2_ref,
               wdt_ref, bdt_ref,
               value_ref, hl_ref, mlt_ref, p1_ref, p2_ref, dt_ref, sl_ref):
    i = pl.program_id(0)
    dinv = _deg_dinv(degp_ref)
    s = aggp_ref[0] + aggp_ref[1] - z2_ref[...]
    h2 = jnp.maximum(s * dinv[:, None] + b2_ref[...], 0.0)
    gpart = jnp.sum(h2, axis=0, keepdims=True) * (1.0 / _N)

    @pl.when(i == 0)
    def _():
        value_ref[...] = bc_ref[...]
        hl_ref[...] = bhl_ref[...]
        mlt_ref[...] = bmlt_ref[...]
        sl_ref[...] = bsl_ref[...]
        p1_ref[...] = bp1_ref[...]
        p2_ref[...] = bp2_ref[...]
        dt_ref[...] = bdt_ref[...]

    dot = lambda a, b: jnp.dot(a, b, preferred_element_type=jnp.float32)
    value_ref[...] += dot(gpart, wc_ref[...])
    hl_ref[...] += dot(gpart, whl_ref[...])
    mlt_ref[...] += dot(gpart, wmlt_ref[...])
    sl_ref[...] += dot(gpart, wsl_ref[...])
    p1_ref[...] += dot(gpart, wp1_ref[...])
    p2_ref[...] += dot(gpart, wp2_ref[...])
    dt_ref[...] += dot(gpart, wdt_ref[...])


def _tc34(aggp, z2, degp, b2, p):
    small = lambda w: pl.BlockSpec(w, lambda i: (0, 0))
    return pl.pallas_call(
        _tc34_body,
        grid=(_N // _R,),
        in_specs=[
            pl.BlockSpec((2, _R, _H), lambda i: (0, i, 0)),
            pl.BlockSpec((_R, _H), lambda i: (i, 0)),
            pl.BlockSpec((2, _R, 16), lambda i: (0, i, 0)),
            small((1, _H)),
            small((_H, 1)), small((1, 1)),
            small((_H, 4)), small((1, 4)),
            small((_H, 3)), small((1, 3)),
            small((_H, 8)), small((1, 8)),
            small((_H, _NUM_STATIONS)), small((1, _NUM_STATIONS)),
            small((_H, _NUM_STATIONS)), small((1, _NUM_STATIONS)),
            small((_H, _NUM_STATIONS)), small((1, _NUM_STATIONS)),
        ],
        out_specs=[
            small((1, 1)), small((1, 4)), small((1, 3)),
            small((1, _NUM_STATIONS)), small((1, _NUM_STATIONS)),
            small((1, _NUM_STATIONS)), small((1, 8)),
        ],
        out_shape=[
            jax.ShapeDtypeStruct((1, 1), jnp.float32),
            jax.ShapeDtypeStruct((1, 4), jnp.float32),
            jax.ShapeDtypeStruct((1, 3), jnp.float32),
            jax.ShapeDtypeStruct((1, _NUM_STATIONS), jnp.float32),
            jax.ShapeDtypeStruct((1, _NUM_STATIONS), jnp.float32),
            jax.ShapeDtypeStruct((1, _NUM_STATIONS), jnp.float32),
            jax.ShapeDtypeStruct((1, 8), jnp.float32),
        ],
    )(aggp, z2, degp, b2,
      p['W_critic'], p['b_critic'][None, :],
      p['W_hl'], p['b_hl'][None, :],
      p['W_mlt'], p['b_mlt'][None, :],
      p['W_sl'], p['b_sl'][None, :],
      p['W_p1'], p['b_p1'][None, :],
      p['W_p2'], p['b_p2'][None, :],
      p['W_dt'], p['b_dt'][None, :])



def kernel(node_features, edge_index, params):
    p = params
    ei = edge_index.astype(jnp.int32)
    e3 = ei.reshape(2, _NW, _NCH_W, _C).transpose(1, 2, 0, 3)
    dst2 = ei[1].reshape(_NW, _NCH_W, _C)
    ones16 = jnp.ones((_N, 16), jnp.float32)

    deg_kernel, edge_kernel = _sc_kernels()
    degp = deg_kernel(ones16, dst2)
    z1 = _tc1(node_features, p['W_proj'], p['b_proj'][None, :], p['W1'], degp)
    agg1 = edge_kernel(z1, e3)
    z2 = _tc2(agg1, z1, degp, p['b1'][None, :], p['W2'])
    agg2 = edge_kernel(z2, e3)
    value, hl, mlt, p1, p2, dt, sl = _tc34(agg2, z2, degp,
                                           p['b2'][None, :], p)
    return (value, hl, mlt, p1, p2, dt, sl)

# --- scband reference (transcript-rebuilt; emitter-appended) ---
"""Pipeline reference for scband-gnnmodel-90984587198996 (READ-ONLY COPY).

The authoritative reference and input builder live on the scoring server;
editing this copy changes nothing except your own understanding.
"""

import jax, jax.numpy as jnp
import numpy as np

N = 10000
E = 320000
D_IN = 128
H = 128
NUM_STATIONS = 10000
NUM_LINE_COLORS = 8


def setup_inputs(seed: int = 0) -> dict:
    key = jax.random.key(seed)
    ks = [jax.random.fold_in(key, i) for i in range(24)]
    x = jax.random.normal(ks[0], (N, D_IN), dtype=jnp.float32)
    edge_index = jax.random.randint(ks[1], (2, E), 0, N)
    s = 0.05
    params = {
        'W_proj': s * jax.random.normal(ks[2], (D_IN, H), dtype=jnp.float32),
        'b_proj': jnp.zeros((H,), dtype=jnp.float32),
        'W1': s * jax.random.normal(ks[3], (H, H), dtype=jnp.float32),
        'b1': jnp.zeros((H,), dtype=jnp.float32),
        'W2': s * jax.random.normal(ks[4], (H, H), dtype=jnp.float32),
        'b2': jnp.zeros((H,), dtype=jnp.float32),
        'W_critic': s * jax.random.normal(ks[5], (H, 1), dtype=jnp.float32),
        'b_critic': jnp.zeros((1,), dtype=jnp.float32),
        'W_hl': s * jax.random.normal(ks[6], (H, 4), dtype=jnp.float32),
        'b_hl': jnp.zeros((4,), dtype=jnp.float32),
        'W_mlt': s * jax.random.normal(ks[7], (H, 3), dtype=jnp.float32),
        'b_mlt': jnp.zeros((3,), dtype=jnp.float32),
        'W_p1': s * jax.random.normal(ks[8], (H, NUM_STATIONS), dtype=jnp.float32),
        'b_p1': jnp.zeros((NUM_STATIONS,), dtype=jnp.float32),
        'W_p2': s * jax.random.normal(ks[9], (H, NUM_STATIONS), dtype=jnp.float32),
        'b_p2': jnp.zeros((NUM_STATIONS,), dtype=jnp.float32),
        'W_dt': s * jax.random.normal(ks[10], (H, NUM_STATIONS), dtype=jnp.float32),
        'b_dt': jnp.zeros((NUM_STATIONS,), dtype=jnp.float32),
        'W_sl': s * jax.random.normal(ks[11], (H, NUM_LINE_COLORS), dtype=jnp.float32),
        'b_sl': jnp.zeros((NUM_LINE_COLORS,), dtype=jnp.float32),
    }
    return {'node_features': x, 'edge_index': edge_index, 'params': params}


def _gcn_conv(h, src, dst, W, b):
    # Standard GCNConv: add self-loops, symmetric D^{-1/2} (A+I) D^{-1/2} normalization.
    h = h @ W
    loop = jnp.arange(N)
    s = jnp.concatenate([src, loop])
    d = jnp.concatenate([dst, loop])
    deg = jax.ops.segment_sum(jnp.ones(s.shape[0], dtype=h.dtype), d, num_segments=N)
    dinv = jnp.where(deg > 0, jax.lax.rsqrt(jnp.maximum(deg, 1e-12)), 0.0)
    norm = dinv[s] * dinv[d]
    msg = h[s] * norm[:, None]
    agg = jax.ops.segment_sum(msg, d, num_segments=N)
    return agg + b


def reference(node_features, edge_index, params):
    src = edge_index[0]
    dst = edge_index[1]
    h = jax.nn.relu(node_features @ params['W_proj'] + params['b_proj'])
    h = jax.nn.relu(_gcn_conv(h, src, dst, params['W1'], params['b1']))
    h = jax.nn.relu(_gcn_conv(h, src, dst, params['W2'], params['b2']))
    # global_mean_pool with a single graph (batch vector of zeros)
    g = jnp.mean(h, axis=0, keepdims=True)
    value = g @ params['W_critic'] + params['b_critic']
    hl = g @ params['W_hl'] + params['b_hl']
    mlt = g @ params['W_mlt'] + params['b_mlt']
    p1 = g @ params['W_p1'] + params['b_p1']
    p2 = g @ params['W_p2'] + params['b_p2']
    dt = g @ params['W_dt'] + params['b_dt']
    sl = g @ params['W_sl'] + params['b_sl']
    return (value, hl, mlt, p1, p2, dt, sl)

if __name__ == "__main__":
    import jax
    _d = setup_inputs()
    print(jax.jit(kernel)(*tuple(_d.values())))

</pallas_src>

<mosaic_0001>
#map = affine_map<(d0, d1) -> (0, 0)>
#map1 = affine_map<(d0, d1) -> (0, 0, 0, 0)>
#map2 = affine_map<(d0, d1) -> (0, 0, 0)>
module attributes {stable_mosaic.version = 14 : i64} {
  func.func @_edge_kernel_body(%arg0: i32, %arg1: i32, %arg2: memref<10000x128xf32, #tpu.memory_space<hbm>>, %arg3: memref<32x125x2x80xi32, #tpu.memory_space<hbm>>, %arg4: memref<2x10000x128xf32, #tpu.memory_space<hbm>>, %arg5: memref<3x2x80xi32, #tpu.memory_space<vmem>>, %arg6: memref<2x80x128xf32, #tpu.memory_space<vmem>>, %arg7: memref<10000x128xf32, #tpu.memory_space<vmem_shared>>, %arg8: memref<!tpu.dma_semaphore, #tpu.memory_space<semaphore_mem>>, %arg9: memref<!tpu.dma_semaphore, #tpu.memory_space<semaphore_mem>>, %arg10: memref<!tpu.dma_semaphore, #tpu.memory_space<semaphore_mem>>) attributes {dimension_semantics = [#tpu.dimension_semantics<core_parallel>, #tpu.dimension_semantics<subcore_parallel>], iteration_bounds = array<i64: 2, 16>, scalar_prefetch = 0 : i64, scratch_operands = 6 : i64, tpu.core_type = #tpu.core_type<sc_vector_subcore>, window_params = [{transform_indices = #map}, {transform_indices = #map1}, {transform_indices = #map2}]} {
    %mul3A = arith.constant 16 : i32
    %mul3A_0 = arith.muli %arg0, %mul3A : i32
    %add3A = arith.addi %mul3A_0, %arg1 : i32
    %mul3A_1 = arith.constant 624 : i32
    %mul3A_2 = arith.muli %arg1, %mul3A_1 : i32
    "tpu.region"() ({
      %run_scoped3A = tpu.sem_alloc : memref<!tpu.dma_semaphore, #tpu.memory_space<semaphore_mem>>
      %dma_start3A_94 = arith.constant 0 : i32
      %dma_start3A_95 = tpu.memref_slice %arg7[%mul3A_2, %dma_start3A_94] : memref<10000x128xf32, #tpu.memory_space<vmem_shared>> -> memref<624x128xf32, #tpu.memory_space<vmem_shared>>
      %dma_start3A_96 = arith.constant 0 : i32
      %dma_start3A_97 = tpu.memref_slice %arg2[%mul3A_2, %dma_start3A_96] : memref<10000x128xf32, #tpu.memory_space<hbm>> -> memref<624x128xf32, #tpu.memory_space<hbm>>
      tpu.enqueue_dma source(%dma_start3A_97 : memref<624x128xf32, #tpu.memory_space<hbm>>) target(%dma_start3A_95 : memref<624x128xf32, #tpu.memory_space<vmem_shared>>) target_semaphore(%run_scoped3A : memref<!tpu.dma_semaphore, #tpu.memory_space<semaphore_mem>>)
      %dma_wait3A_98 = arith.constant 0 : i32
      %dma_wait3A_99 = tpu.memref_slice %arg7[%mul3A_2, %dma_wait3A_98] : memref<10000x128xf32, #tpu.memory_space<vmem_shared>> -> memref<624x128xf32, #tpu.memory_space<vmem_shared>>
      %dma_wait3A_100 = arith.constant 0 : i32
      %dma_wait3A_101 = tpu.memref_slice %arg2[%mul3A_2, %dma_wait3A_100] : memref<10000x128xf32, #tpu.memory_space<hbm>> -> memref<624x128xf32, #tpu.memory_space<hbm>>
      tpu.wait_dma2 semaphore(%run_scoped3A : memref<!tpu.dma_semaphore, #tpu.memory_space<semaphore_mem>>) src(%dma_wait3A_101 : memref<624x128xf32, #tpu.memory_space<hbm>>) dst(%dma_wait3A_99 : memref<624x128xf32, #tpu.memory_space<vmem_shared>>)
      tpu.yield
    }) : () -> ()
    %eq3A = arith.constant 15 : i32
    %eq3A_3 = arith.cmpi eq, %arg1, %eq3A : i32
    %convert_element_type3A = arith.extui %eq3A_3 : i1 to i32
    %cond3A = arith.constant 0 : i32
    %cond3A_4 = arith.cmpi ne, %convert_element_type3A, %cond3A : i32
    scf.if %cond3A_4 {
      "tpu.region"() ({
        %run_scoped3A = tpu.sem_alloc : memref<!tpu.dma_semaphore, #tpu.memory_space<semaphore_mem>>
        %dma_start3A_94 = arith.constant 9984 : i32
        %dma_start3A_95 = arith.constant 0 : i32
        %dma_start3A_96 = tpu.memref_slice %arg7[%dma_start3A_94, %dma_start3A_95] : memref<10000x128xf32, #tpu.memory_space<vmem_shared>> -> memref<16x128xf32, #tpu.memory_space<vmem_shared>>
        %dma_start3A_97 = arith.constant 9984 : i32
        %dma_start3A_98 = arith.constant 0 : i32
        %dma_start3A_99 = tpu.memref_slice %arg2[%dma_start3A_97, %dma_start3A_98] : memref<10000x128xf32, #tpu.memory_space<hbm>> -> memref<16x128xf32, #tpu.memory_space<hbm>>
        tpu.enqueue_dma source(%dma_start3A_99 : memref<16x128xf32, #tpu.memory_space<hbm>>) target(%dma_start3A_96 : memref<16x128xf32, #tpu.memory_space<vmem_shared>>) target_semaphore(%run_scoped3A : memref<!tpu.dma_semaphore, #tpu.memory_space<semaphore_mem>>)
        %dma_wait3A_100 = arith.constant 9984 : i32
        %dma_wait3A_101 = arith.constant 0 : i32
        %dma_wait3A_102 = tpu.memref_slice %arg7[%dma_wait3A_100, %dma_wait3A_101] : memref<10000x128xf32, #tpu.memory_space<vmem_shared>> -> memref<16x128xf32, #tpu.memory_space<vmem_shared>>
        %dma_wait3A_103 = arith.constant 9984 : i32
        %dma_wait3A_104 = arith.constant 0 : i32
        %dma_wait3A_105 = tpu.memref_slice %arg2[%dma_wait3A_103, %dma_wait3A_104] : memref<10000x128xf32, #tpu.memory_space<hbm>> -> memref<16x128xf32, #tpu.memory_space<hbm>>
        tpu.wait_dma2 semaphore(%run_scoped3A : memref<!tpu.dma_semaphore, #tpu.memory_space<semaphore_mem>>) src(%dma_wait3A_105 : memref<16x128xf32, #tpu.memory_space<hbm>>) dst(%dma_wait3A_102 : memref<16x128xf32, #tpu.memory_space<vmem_shared>>)
        tpu.yield
      }) : () -> ()
    } else {
    }
    %barrier3A = arith.constant 0 : index
    tpu.barrier barrier_id(%barrier3A)
    %dma_start3A = arith.constant 0 : i32
    %dma_start3A_5 = arith.constant 0 : i32
    %dma_start3A_6 = arith.constant 0 : i32
    %dma_start3A_7 = arith.constant 0 : i32
    %dma_start3A_8 = tpu.memref_slice %arg5[%dma_start3A_5, %dma_start3A_6, %dma_start3A_7] : memref<3x2x80xi32, #tpu.memory_space<vmem>> -> memref<1x2x80xi32, #tpu.memory_space<vmem>>
    %dma_start3A_9 = tpu.memref_squeeze %dma_start3A_8 : memref<1x2x80xi32, #tpu.memory_space<vmem>> -> memref<2x80xi32, #tpu.memory_space<vmem>>
    %dma_start3A_10 = arith.constant 0 : i32
    %dma_start3A_11 = arith.constant 0 : i32
    %dma_start3A_12 = tpu.memref_slice %arg3[%add3A, %dma_start3A, %dma_start3A_10, %dma_start3A_11] : memref<32x125x2x80xi32, #tpu.memory_space<hbm>> -> memref<1x1x2x80xi32, #tpu.memory_space<hbm>>
    %dma_start3A_13 = tpu.memref_squeeze %dma_start3A_12 : memref<1x1x2x80xi32, #tpu.memory_space<hbm>> -> memref<2x80xi32, #tpu.memory_space<hbm>>
    %dma_start3A_14 = arith.constant 0 : i32
    %dma_start3A_15 = arith.constant 0 : i32
    %dma_start3A_16 = tpu.memref_slice %arg5[%dma_start3A_5, %dma_start3A_14, %dma_start3A_15] : memref<3x2x80xi32, #tpu.memory_space<vmem>> -> memref<1x2x80xi32, #tpu.memory_space<vmem>>
    %dma_start3A_17 = tpu.memref_squeeze %dma_start3A_16 : memref<1x2x80xi32, #tpu.memory_space<vmem>> -> memref<2x80xi32, #tpu.memory_space<vmem>>
    %dma_start3A_18 = arith.constant 0 : i32
    %dma_start3A_19 = arith.constant 0 : i32
    %dma_start3A_20 = tpu.memref_slice %arg3[%add3A, %dma_start3A, %dma_start3A_18, %dma_start3A_19] : memref<32x125x2x80xi32, #tpu.memory_space<hbm>> -> memref<1x1x2x80xi32, #tpu.memory_space<hbm>>
    %dma_start3A_21 = tpu.memref_squeeze %dma_start3A_20 : memref<1x1x2x80xi32, #tpu.memory_space<hbm>> -> memref<2x80xi32, #tpu.memory_space<hbm>>
    tpu.enqueue_dma source(%dma_start3A_21 : memref<2x80xi32, #tpu.memory_space<hbm>>) target(%dma_start3A_17 : memref<2x80xi32, #tpu.memory_space<vmem>>) target_semaphore(%arg8 : memref<!tpu.dma_semaphore, #tpu.memory_space<semaphore_mem>>)
    %dma_start3A_22 = arith.constant 1 : i32
    %dma_start3A_23 = arith.constant 1 : i32
    %dma_start3A_24 = arith.constant 0 : i32
    %dma_start3A_25 = arith.constant 0 : i32
    %dma_start3A_26 = tpu.memref_slice %arg5[%dma_start3A_23, %dma_start3A_24, %dma_start3A_25] : memref<3x2x80xi32, #tpu.memory_space<vmem>> -> memref<1x2x80xi32, #tpu.memory_space<vmem>>
    %dma_start3A_27 = tpu.memref_squeeze %dma_start3A_26 : memref<1x2x80xi32, #tpu.memory_space<vmem>> -> memref<2x80xi32, #tpu.memory_space<vmem>>
    %dma_start3A_28 = arith.constant 0 : i32
    %dma_start3A_29 = arith.constant 0 : i32
    %dma_start3A_30 = tpu.memref_slice %arg3[%add3A, %dma_start3A_22, %dma_start3A_28, %dma_start3A_29] : memref<32x125x2x80xi32, #tpu.memory_space<hbm>> -> memref<1x1x2x80xi32, #tpu.memory_space<hbm>>
    %dma_start3A_31 = tpu.memref_squeeze %dma_start3A_30 : memref<1x1x2x80xi32, #tpu.memory_space<hbm>> -> memref<2x80xi32, #tpu.memory_space<hbm>>
    %dma_start3A_32 = arith.constant 0 : i32
    %dma_start3A_33 = arith.constant 0 : i32
    %dma_start3A_34 = tpu.memref_slice %arg5[%dma_start3A_23, %dma_start3A_32, %dma_start3A_33] : memref<3x2x80xi32, #tpu.memory_space<vmem>> -> memref<1x2x80xi32, #tpu.memory_space<vmem>>
    %dma_start3A_35 = tpu.memref_squeeze %dma_start3A_34 : memref<1x2x80xi32, #tpu.memory_space<vmem>> -> memref<2x80xi32, #tpu.memory_space<vmem>>
    %dma_start3A_36 = arith.constant 0 : i32
    %dma_start3A_37 = arith.constant 0 : i32
    %dma_start3A_38 = tpu.memref_slice %arg3[%add3A, %dma_start3A_22, %dma_start3A_36, %dma_start3A_37] : memref<32x125x2x80xi32, #tpu.memory_space<hbm>> -> memref<1x1x2x80xi32, #tpu.memory_space<hbm>>
    %dma_start3A_39 = tpu.memref_squeeze %dma_start3A_38 : memref<1x1x2x80xi32, #tpu.memory_space<hbm>> -> memref<2x80xi32, #tpu.memory_space<hbm>>
    tpu.enqueue_dma source(%dma_start3A_39 : memref<2x80xi32, #tpu.memory_space<hbm>>) target(%dma_start3A_35 : memref<2x80xi32, #tpu.memory_space<vmem>>) target_semaphore(%arg8 : memref<!tpu.dma_semaphore, #tpu.memory_space<semaphore_mem>>)
    %dma_wait3A = arith.constant 0 : i32
    %dma_wait3A_40 = arith.constant 0 : i32
    %dma_wait3A_41 = arith.constant 0 : i32
    %dma_wait3A_42 = arith.constant 0 : i32
    %dma_wait3A_43 = tpu.memref_slice %arg5[%dma_wait3A_40, %dma_wait3A_41, %dma_wait3A_42] : memref<3x2x80xi32, #tpu.memory_space<vmem>> -> memref<1x2x80xi32, #tpu.memory_space<vmem>>
    %dma_wait3A_44 = tpu.memref_squeeze %dma_wait3A_43 : memref<1x2x80xi32, #tpu.memory_space<vmem>> -> memref<2x80xi32, #tpu.memory_space<vmem>>
    %dma_wait3A_45 = arith.constant 0 : i32
    %dma_wait3A_46 = arith.constant 0 : i32
    %dma_wait3A_47 = tpu.memref_slice %arg3[%add3A, %dma_wait3A, %dma_wait3A_45, %dma_wait3A_46] : memref<32x125x2x80xi32, #tpu.memory_space<hbm>> -> memref<1x1x2x80xi32, #tpu.memory_space<hbm>>
    %dma_wait3A_48 = tpu.memref_squeeze %dma_wait3A_47 : memref<1x1x2x80xi32, #tpu.memory_space<hbm>> -> memref<2x80xi32, #tpu.memory_space<hbm>>
    %dma_wait3A_49 = arith.constant 0 : i32
    %dma_wait3A_50 = arith.constant 0 : i32
    %dma_wait3A_51 = tpu.memref_slice %arg5[%dma_wait3A_40, %dma_wait3A_49, %dma_wait3A_50] : memref<3x2x80xi32, #tpu.memory_space<vmem>> -> memref<1x2x80xi32, #tpu.memory_space<vmem>>
    %dma_wait3A_52 = tpu.memref_squeeze %dma_wait3A_51 : memref<1x2x80xi32, #tpu.memory_space<vmem>> -> memref<2x80xi32, #tpu.memory_space<vmem>>
    %dma_wait3A_53 = arith.constant 0 : i32
    %dma_wait3A_54 = arith.constant 0 : i32
    %dma_wait3A_55 = tpu.memref_slice %arg3[%add3A, %dma_wait3A, %dma_wait3A_53, %dma_wait3A_54] : memref<32x125x2x80xi32, #tpu.memory_space<hbm>> -> memref<1x1x2x80xi32, #tpu.memory_space<hbm>>
    %dma_wait3A_56 = tpu.memref_squeeze %dma_wait3A_55 : memref<1x1x2x80xi32, #tpu.memory_space<hbm>> -> memref<2x80xi32, #tpu.memory_space<hbm>>
    tpu.wait_dma2 semaphore(%arg8 : memref<!tpu.dma_semaphore, #tpu.memory_space<semaphore_mem>>) src(%dma_wait3A_56 : memref<2x80xi32, #tpu.memory_space<hbm>>) dst(%dma_wait3A_52 : memref<2x80xi32, #tpu.memory_space<vmem>>)
    %dma_start3A_57 = arith.constant 0 : i32
    %dma_start3A_58 = arith.constant 0 : i32
    %dma_start3A_59 = arith.constant 0 : i32
    %dma_start3A_60 = arith.constant 0 : i32
    %dma_start3A_61 = arith.constant 0 : i32
    %dma_start3A_62 = tpu.memref_slice %arg6[%dma_start3A_59, %dma_start3A_60, %dma_start3A_61] : memref<2x80x128xf32, #tpu.memory_space<vmem>> -> memref<1x80x128xf32, #tpu.memory_space<vmem>>
    %dma_start3A_63 = tpu.memref_squeeze %dma_start3A_62 : memref<1x80x128xf32, #tpu.memory_space<vmem>> -> memref<80x128xf32, #tpu.memory_space<vmem>>
    %dma_start3A_64 = arith.constant 0 : i32
    %dma_start3A_65 = tpu.memref_slice %arg5[%dma_start3A_57, %dma_start3A_58, %dma_start3A_64] : memref<3x2x80xi32, #tpu.memory_space<vmem>> -> memref<1x1x80xi32, #tpu.memory_space<vmem>>
    %dma_start3A_66 = tpu.memref_squeeze %dma_start3A_65 : memref<1x1x80xi32, #tpu.memory_space<vmem>> -> memref<80xi32, #tpu.memory_space<vmem>>
    %dma_start3A_67 = arith.constant 0 : i32
    %dma_start3A_68 = arith.constant 0 : i32
    %dma_start3A_69 = tpu.memref_slice %arg2[%dma_start3A_67, %dma_start3A_68] : memref<10000x128xf32, #tpu.memory_space<hbm>> -> memref<10000x128xf32, #tpu.memory_space<hbm>>
    tpu.enqueue_indirect_dma source(%dma_start3A_69 : memref<10000x128xf32, #tpu.memory_space<hbm>>) target(%dma_start3A_63 : memref<80x128xf32, #tpu.memory_space<vmem>>) offsets(%dma_start3A_66 : memref<80xi32, #tpu.memory_space<vmem>>) semaphore(%arg9 : memref<!tpu.dma_semaphore, #tpu.memory_space<semaphore_mem>>)
    %scan3A = arith.constant 0 : i32
    %scan3A_70 = arith.constant 0 : i32
    %scan3A_71 = arith.constant 125 : i32
    %scan3A_72 = arith.addi %scan3A_70, %scan3A_71 : i32
    %scan3A_73 = arith.constant 1 : i32
    scf.for %scan3A_94 = %scan3A_70 to %scan3A_72 step %scan3A_73  : i32 {
      %rem3A = arith.constant 3 : i32
      %rem3A_95 = arith.remsi %scan3A_94, %rem3A : i32
      %rem3A_96 = arith.constant 2 : i32
      %rem3A_97 = arith.remsi %scan3A_94, %rem3A_96 : i32
      %dma_wait3A_98 = arith.constant 0 : i32
      %dma_wait3A_99 = arith.constant 0 : i32
      %dma_wait3A_100 = arith.constant 0 : i32
      %dma_wait3A_101 = tpu.memref_slice %arg6[%rem3A_97, %dma_wait3A_99, %dma_wait3A_100] : memref<2x80x128xf32, #tpu.memory_space<vmem>> -> memref<1x80x128xf32, #tpu.memory_space<vmem>>
      %dma_wait3A_102 = tpu.memref_squeeze %dma_wait3A_101 : memref<1x80x128xf32, #tpu.memory_space<vmem>> -> memref<80x128xf32, #tpu.memory_space<vmem>>
      %dma_wait3A_103 = arith.constant 0 : i32
      %dma_wait3A_104 = tpu.memref_slice %arg5[%rem3A_95, %dma_wait3A_98, %dma_wait3A_103] : memref<3x2x80xi32, #tpu.memory_space<vmem>> -> memref<1x1x80xi32, #tpu.memory_space<vmem>>
      %dma_wait3A_105 = tpu.memref_squeeze %dma_wait3A_104 : memref<1x1x80xi32, #tpu.memory_space<vmem>> -> memref<80xi32, #tpu.memory_space<vmem>>
      %dma_wait3A_106 = arith.constant 0 : i32
      %dma_wait3A_107 = arith.constant 0 : i32
      %dma_wait3A_108 = tpu.memref_slice %arg2[%dma_wait3A_106, %dma_wait3A_107] : memref<10000x128xf32, #tpu.memory_space<hbm>> -> memref<10000x128xf32, #tpu.memory_space<hbm>>
      tpu.wait_indirect_dma semaphore(%arg9 : memref<!tpu.dma_semaphore, #tpu.memory_space<semaphore_mem>>) src(%dma_wait3A_108 : memref<10000x128xf32, #tpu.memory_space<hbm>>) dst(%dma_wait3A_102 : memref<80x128xf32, #tpu.memory_space<vmem>>)
      %ge3A = arith.constant 1 : i32
      %ge3A_109 = arith.cmpi sge, %scan3A_94, %ge3A : i32
      %convert_element_type3A_110 = arith.extui %ge3A_109 : i1 to i32
      %cond3A_111 = arith.constant 0 : i32
      %cond3A_112 = arith.cmpi ne, %convert_element_type3A_110, %cond3A_111 : i32
      scf.if %cond3A_112 {
        %sub3A = arith.constant 1 : i32
        %sub3A_133 = arith.subi %sub3A, %rem3A_97 : i32
        %add3A_134 = arith.constant 2 : i32
        %add3A_135 = arith.addi %scan3A_94, %add3A_134 : i32
        %rem3A_136 = arith.constant 3 : i32
        %rem3A_137 = arith.remsi %add3A_135, %rem3A_136 : i32
        %dma_wait3A_138 = arith.constant 1 : i32
        %dma_wait3A_139 = arith.constant 0 : i32
        %dma_wait3A_140 = arith.constant 0 : i32
        %dma_wait3A_141 = tpu.memref_slice %arg6[%sub3A_133, %dma_wait3A_139, %dma_wait3A_140] : memref<2x80x128xf32, #tpu.memory_space<vmem>> -> memref<1x80x128xf32, #tpu.memory_space<vmem>>
        %dma_wait3A_142 = tpu.memref_squeeze %dma_wait3A_141 : memref<1x80x128xf32, #tpu.memory_space<vmem>> -> memref<80x128xf32, #tpu.memory_space<vmem>>
        %dma_wait3A_143 = arith.constant 0 : i32
        %dma_wait3A_144 = tpu.memref_slice %arg5[%rem3A_137, %dma_wait3A_138, %dma_wait3A_143] : memref<3x2x80xi32, #tpu.memory_space<vmem>> -> memref<1x1x80xi32, #tpu.memory_space<vmem>>
        %dma_wait3A_145 = tpu.memref_squeeze %dma_wait3A_144 : memref<1x1x80xi32, #tpu.memory_space<vmem>> -> memref<80xi32, #tpu.memory_space<vmem>>
        %dma_wait3A_146 = arith.constant 0 : i32
        %dma_wait3A_147 = arith.constant 0 : i32
        %dma_wait3A_148 = tpu.memref_slice %arg7[%dma_wait3A_146, %dma_wait3A_147] : memref<10000x128xf32, #tpu.memory_space<vmem_shared>> -> memref<10000x128xf32, #tpu.memory_space<vmem_shared>>
        tpu.wait_indirect_dma semaphore(%arg10 : memref<!tpu.dma_semaphore, #tpu.memory_space<semaphore_mem>>) src(%dma_wait3A_142 : memref<80x128xf32, #tpu.memory_space<vmem>>) dst(%dma_wait3A_148 : memref<10000x128xf32, #tpu.memory_space<vmem_shared>>)
      } else {
      }
      %lt3A = arith.constant 124 : i32
      %lt3A_113 = arith.cmpi slt, %scan3A_94, %lt3A : i32
      %convert_element_type3A_114 = arith.extui %lt3A_113 : i1 to i32
      %cond3A_115 = arith.constant 0 : i32
      %cond3A_116 = arith.cmpi ne, %convert_element_type3A_114, %cond3A_115 : i32
      scf.if %cond3A_116 {
        %add3A_133 = arith.constant 1 : i32
        %add3A_134 = arith.addi %scan3A_94, %add3A_133 : i32
        %rem3A_135 = arith.constant 3 : i32
        %rem3A_136 = arith.remsi %add3A_134, %rem3A_135 : i32
        %add3A_137 = arith.constant 1 : i32
        %add3A_138 = arith.addi %scan3A_94, %add3A_137 : i32
        %dma_wait3A_139 = arith.constant 0 : i32
        %dma_wait3A_140 = arith.constant 0 : i32
        %dma_wait3A_141 = tpu.memref_slice %arg5[%rem3A_136, %dma_wait3A_139, %dma_wait3A_140] : memref<3x2x80xi32, #tpu.memory_space<vmem>> -> memref<1x2x80xi32, #tpu.memory_space<vmem>>
        %dma_wait3A_142 = tpu.memref_squeeze %dma_wait3A_141 : memref<1x2x80xi32, #tpu.memory_space<vmem>> -> memref<2x80xi32, #tpu.memory_space<vmem>>
        %dma_wait3A_143 = arith.constant 0 : i32
        %dma_wait3A_144 = arith.constant 0 : i32
        %dma_wait3A_145 = tpu.memref_slice %arg3[%add3A, %add3A_138, %dma_wait3A_143, %dma_wait3A_144] : memref<32x125x2x80xi32, #tpu.memory_space<hbm>> -> memref<1x1x2x80xi32, #tpu.memory_space<hbm>>
        %dma_wait3A_146 = tpu.memref_squeeze %dma_wait3A_145 : memref<1x1x2x80xi32, #tpu.memory_space<hbm>> -> memref<2x80xi32, #tpu.memory_space<hbm>>
        %dma_wait3A_147 = arith.constant 0 : i32
        %dma_wait3A_148 = arith.constant 0 : i32
        %dma_wait3A_149 = tpu.memref_slice %arg5[%rem3A_136, %dma_wait3A_147, %dma_wait3A_148] : memref<3x2x80xi32, #tpu.memory_space<vmem>> -> memref<1x2x80xi32, #tpu.memory_space<vmem>>
        %dma_wait3A_150 = tpu.memref_squeeze %dma_wait3A_149 : memref<1x2x80xi32, #tpu.memory_space<vmem>> -> memref<2x80xi32, #tpu.memory_space<vmem>>
        %dma_wait3A_151 = arith.constant 0 : i32
        %dma_wait3A_152 = arith.constant 0 : i32
        %dma_wait3A_153 = tpu.memref_slice %arg3[%add3A, %add3A_138, %dma_wait3A_151, %dma_wait3A_152] : memref<32x125x2x80xi32, #tpu.memory_space<hbm>> -> memref<1x1x2x80xi32, #tpu.memory_space<hbm>>
        %dma_wait3A_154 = tpu.memref_squeeze %dma_wait3A_153 : memref<1x1x2x80xi32, #tpu.memory_space<hbm>> -> memref<2x80xi32, #tpu.memory_space<hbm>>
        tpu.wait_dma2 semaphore(%arg8 : memref<!tpu.dma_semaphore, #tpu.memory_space<semaphore_mem>>) src(%dma_wait3A_154 : memref<2x80xi32, #tpu.memory_space<hbm>>) dst(%dma_wait3A_150 : memref<2x80xi32, #tpu.memory_space<vmem>>)
        %sub3A = arith.constant 1 : i32
        %sub3A_155 = arith.subi %sub3A, %rem3A_97 : i32
        %dma_start3A_156 = arith.constant 0 : i32
        %dma_start3A_157 = arith.constant 0 : i32
        %dma_start3A_158 = arith.constant 0 : i32
        %dma_start3A_159 = tpu.memref_slice %arg6[%sub3A_155, %dma_start3A_157, %dma_start3A_158] : memref<2x80x128xf32, #tpu.memory_space<vmem>> -> memref<1x80x128xf32, #tpu.memory_space<vmem>>
        %dma_start3A_160 = tpu.memref_squeeze %dma_start3A_159 : memref<1x80x128xf32, #tpu.memory_space<vmem>> -> memref<80x128xf32, #tpu.memory_space<vmem>>
        %dma_start3A_161 = arith.constant 0 : i32
        %dma_start3A_162 = tpu.memref_slice %arg5[%rem3A_136, %dma_start3A_156, %dma_start3A_161] : memref<3x2x80xi32, #tpu.memory_space<vmem>> -> memref<1x1x80xi32, #tpu.memory_space<vmem>>
        %dma_start3A_163 = tpu.memref_squeeze %dma_start3A_162 : memref<1x1x80xi32, #tpu.memory_space<vmem>> -> memref<80xi32, #tpu.memory_space<vmem>>
        %dma_start3A_164 = arith.constant 0 : i32
        %dma_start3A_165 = arith.constant 0 : i32
        %dma_start3A_166 = tpu.memref_slice %arg2[%dma_start3A_164, %dma_start3A_165] : memref<10000x128xf32, #tpu.memory_space<hbm>> -> memref<10000x128xf32, #tpu.memory_space<hbm>>
        tpu.enqueue_indirect_dma source(%dma_start3A_166 : memref<10000x128xf32, #tpu.memory_space<hbm>>) target(%dma_start3A_160 : memref<80x128xf32, #tpu.memory_space<vmem>>) offsets(%dma_start3A_163 : memref<80xi32, #tpu.memory_space<vmem>>) semaphore(%arg9 : memref<!tpu.dma_semaphore, #tpu.memory_space<semaphore_mem>>)
      } else {
      }
      %lt3A_117 = arith.constant 123 : i32
      %lt3A_118 = arith.cmpi slt, %scan3A_94, %lt3A_117 : i32
      %convert_element_type3A_119 = arith.extui %lt3A_118 : i1 to i32
      %cond3A_120 = arith.constant 0 : i32
      %cond3A_121 = arith.cmpi ne, %convert_element_type3A_119, %cond3A_120 : i32
      scf.if %cond3A_121 {
        %add3A_133 = arith.constant 2 : i32
        %add3A_134 = arith.addi %scan3A_94, %add3A_133 : i32
        %add3A_135 = arith.constant 2 : i32
        %add3A_136 = arith.addi %scan3A_94, %add3A_135 : i32
        %rem3A_137 = arith.constant 3 : i32
        %rem3A_138 = arith.remsi %add3A_136, %rem3A_137 : i32
        %dma_start3A_139 = arith.constant 0 : i32
        %dma_start3A_140 = arith.constant 0 : i32
        %dma_start3A_141 = tpu.memref_slice %arg5[%rem3A_138, %dma_start3A_139, %dma_start3A_140] : memref<3x2x80xi32, #tpu.memory_space<vmem>> -> memref<1x2x80xi32, #tpu.memory_space<vmem>>
        %dma_start3A_142 = tpu.memref_squeeze %dma_start3A_141 : memref<1x2x80xi32, #tpu.memory_space<vmem>> -> memref<2x80xi32, #tpu.memory_space<vmem>>
        %dma_start3A_143 = arith.constant 0 : i32
        %dma_start3A_144 = arith.constant 0 : i32
        %dma_start3A_145 = tpu.memref_slice %arg3[%add3A, %add3A_134, %dma_start3A_143, %dma_start3A_144] : memref<32x125x2x80xi32, #tpu.memory_space<hbm>> -> memref<1x1x2x80xi32, #tpu.memory_space<hbm>>
        %dma_start3A_146 = tpu.memref_squeeze %dma_start3A_145 : memref<1x1x2x80xi32, #tpu.memory_space<hbm>> -> memref<2x80xi32, #tpu.memory_space<hbm>>
        %dma_start3A_147 = arith.constant 0 : i32
        %dma_start3A_148 = arith.constant 0 : i32
        %dma_start3A_149 = tpu.memref_slice %arg5[%rem3A_138, %dma_start3A_147, %dma_start3A_148] : memref<3x2x80xi32, #tpu.memory_space<vmem>> -> memref<1x2x80xi32, #tpu.memory_space<vmem>>
        %dma_start3A_150 = tpu.memref_squeeze %dma_start3A_149 : memref<1x2x80xi32, #tpu.memory_space<vmem>> -> memref<2x80xi32, #tpu.memory_space<vmem>>
        %dma_start3A_151 = arith.constant 0 : i32
        %dma_start3A_152 = arith.constant 0 : i32
        %dma_start3A_153 = tpu.memref_slice %arg3[%add3A, %add3A_134, %dma_start3A_151, %dma_start3A_152] : memref<32x125x2x80xi32, #tpu.memory_space<hbm>> -> memref<1x1x2x80xi32, #tpu.memory_space<hbm>>
        %dma_start3A_154 = tpu.memref_squeeze %dma_start3A_153 : memref<1x1x2x80xi32, #tpu.memory_space<hbm>> -> memref<2x80xi32, #tpu.memory_space<hbm>>
        tpu.enqueue_dma source(%dma_start3A_154 : memref<2x80xi32, #tpu.memory_space<hbm>>) target(%dma_start3A_150 : memref<2x80xi32, #tpu.memory_space<vmem>>) target_semaphore(%arg8 : memref<!tpu.dma_semaphore, #tpu.memory_space<semaphore_mem>>)
      } else {
      }
      %dma_start3A_122 = arith.constant 1 : i32
      %dma_start3A_123 = arith.constant 0 : i32
      %dma_start3A_124 = arith.constant 0 : i32
      %dma_start3A_125 = tpu.memref_slice %arg6[%rem3A_97, %dma_start3A_123, %dma_start3A_124] : memref<2x80x128xf32, #tpu.memory_space<vmem>> -> memref<1x80x128xf32, #tpu.memory_space<vmem>>
      %dma_start3A_126 = tpu.memref_squeeze %dma_start3A_125 : memref<1x80x128xf32, #tpu.memory_space<vmem>> -> memref<80x128xf32, #tpu.memory_space<vmem>>
      %dma_start3A_127 = arith.constant 0 : i32
      %dma_start3A_128 = tpu.memref_slice %arg5[%rem3A_95, %dma_start3A_122, %dma_start3A_127] : memref<3x2x80xi32, #tpu.memory_space<vmem>> -> memref<1x1x80xi32, #tpu.memory_space<vmem>>
      %dma_start3A_129 = tpu.memref_squeeze %dma_start3A_128 : memref<1x1x80xi32, #tpu.memory_space<vmem>> -> memref<80xi32, #tpu.memory_space<vmem>>
      %dma_start3A_130 = arith.constant 0 : i32
      %dma_start3A_131 = arith.constant 0 : i32
      %dma_start3A_132 = tpu.memref_slice %arg7[%dma_start3A_130, %dma_start3A_131] : memref<10000x128xf32, #tpu.memory_space<vmem_shared>> -> memref<10000x128xf32, #tpu.memory_space<vmem_shared>>
      tpu.enqueue_indirect_dma source(%dma_start3A_126 : memref<80x128xf32, #tpu.memory_space<vmem>>) target(%dma_start3A_132 : memref<10000x128xf32, #tpu.memory_space<vmem_shared>>) offsets(%dma_start3A_129 : memref<80xi32, #tpu.memory_space<vmem>>) semaphore(%arg10 : memref<!tpu.dma_semaphore, #tpu.memory_space<semaphore_mem>>) {add = true}
    }
    %scan3A_74 = arith.constant 125 : i32
    %dma_wait3A_75 = arith.constant 0 : i32
    %dma_wait3A_76 = arith.constant 1 : i32
    %dma_wait3A_77 = arith.constant 1 : i32
    %dma_wait3A_78 = arith.constant 0 : i32
    %dma_wait3A_79 = arith.constant 0 : i32
    %dma_wait3A_80 = tpu.memref_slice %arg6[%dma_wait3A_75, %dma_wait3A_78, %dma_wait3A_79] : memref<2x80x128xf32, #tpu.memory_space<vmem>> -> memref<1x80x128xf32, #tpu.memory_space<vmem>>
    %dma_wait3A_81 = tpu.memref_squeeze %dma_wait3A_80 : memref<1x80x128xf32, #tpu.memory_space<vmem>> -> memref<80x128xf32, #tpu.memory_space<vmem>>
    %dma_wait3A_82 = arith.constant 0 : i32
    %dma_wait3A_83 = tpu.memref_slice %arg5[%dma_wait3A_76, %dma_wait3A_77, %dma_wait3A_82] : memref<3x2x80xi32, #tpu.memory_space<vmem>> -> memref<1x1x80xi32, #tpu.memory_space<vmem>>
    %dma_wait3A_84 = tpu.memref_squeeze %dma_wait3A_83 : memref<1x1x80xi32, #tpu.memory_space<vmem>> -> memref<80xi32, #tpu.memory_space<vmem>>
    %dma_wait3A_85 = arith.constant 0 : i32
    %dma_wait3A_86 = arith.constant 0 : i32
    %dma_wait3A_87 = tpu.memref_slice %arg7[%dma_wait3A_85, %dma_wait3A_86] : memref<10000x128xf32, #tpu.memory_space<vmem_shared>> -> memref<10000x128xf32, #tpu.memory_space<vmem_shared>>
    tpu.wait_indirect_dma semaphore(%arg10 : memref<!tpu.dma_semaphore, #tpu.memory_space<semaphore_mem>>) src(%dma_wait3A_81 : memref<80x128xf32, #tpu.memory_space<vmem>>) dst(%dma_wait3A_87 : memref<10000x128xf32, #tpu.memory_space<vmem_shared>>)
    %barrier3A_88 = arith.constant 0 : index
    tpu.barrier barrier_id(%barrier3A_88)
    "tpu.region"() ({
      %run_scoped3A = tpu.sem_alloc : memref<!tpu.dma_semaphore, #tpu.memory_space<semaphore_mem>>
      %dma_start3A_94 = arith.constant 0 : i32
      %dma_start3A_95 = tpu.memref_slice %arg4[%arg0, %mul3A_2, %dma_start3A_94] : memref<2x10000x128xf32, #tpu.memory_space<hbm>> -> memref<1x624x128xf32, #tpu.memory_space<hbm>>
      %dma_start3A_96 = tpu.memref_squeeze %dma_start3A_95 : memref<1x624x128xf32, #tpu.memory_space<hbm>> -> memref<624x128xf32, #tpu.memory_space<hbm>>
      %dma_start3A_97 = arith.constant 0 : i32
      %dma_start3A_98 = tpu.memref_slice %arg7[%mul3A_2, %dma_start3A_97] : memref<10000x128xf32, #tpu.memory_space<vmem_shared>> -> memref<624x128xf32, #tpu.memory_space<vmem_shared>>
      tpu.enqueue_dma source(%dma_start3A_98 : memref<624x128xf32, #tpu.memory_space<vmem_shared>>) target(%dma_start3A_96 : memref<624x128xf32, #tpu.memory_space<hbm>>) target_semaphore(%run_scoped3A : memref<!tpu.dma_semaphore, #tpu.memory_space<semaphore_mem>>)
      %dma_wait3A_99 = arith.constant 0 : i32
      %dma_wait3A_100 = tpu.memref_slice %arg4[%arg0, %mul3A_2, %dma_wait3A_99] : memref<2x10000x128xf32, #tpu.memory_space<hbm>> -> memref<1x624x128xf32, #tpu.memory_space<hbm>>
      %dma_wait3A_101 = tpu.memref_squeeze %dma_wait3A_100 : memref<1x624x128xf32, #tpu.memory_space<hbm>> -> memref<624x128xf32, #tpu.memory_space<hbm>>
      %dma_wait3A_102 = arith.constant 0 : i32
      %dma_wait3A_103 = tpu.memref_slice %arg7[%mul3A_2, %dma_wait3A_102] : memref<10000x128xf32, #tpu.memory_space<vmem_shared>> -> memref<624x128xf32, #tpu.memory_space<vmem_shared>>
      tpu.wait_dma2 semaphore(%run_scoped3A : memref<!tpu.dma_semaphore, #tpu.memory_space<semaphore_mem>>) src(%dma_wait3A_103 : memref<624x128xf32, #tpu.memory_space<vmem_shared>>) dst(%dma_wait3A_101 : memref<624x128xf32, #tpu.memory_space<hbm>>)
      tpu.yield
    }) : () -> ()
    %eq3A_89 = arith.constant 15 : i32
    %eq3A_90 = arith.cmpi eq, %arg1, %eq3A_89 : i32
    %convert_element_type3A_91 = arith.extui %eq3A_90 : i1 to i32
    %cond3A_92 = arith.constant 0 : i32
    %cond3A_93 = arith.cmpi ne, %convert_element_type3A_91, %cond3A_92 : i32
    scf.if %cond3A_93 {
      "tpu.region"() ({
        %run_scoped3A = tpu.sem_alloc : memref<!tpu.dma_semaphore, #tpu.memory_space<semaphore_mem>>
        %dma_start3A_94 = arith.constant 9984 : i32
        %dma_start3A_95 = arith.constant 0 : i32
        %dma_start3A_96 = tpu.memref_slice %arg4[%arg0, %dma_start3A_94, %dma_start3A_95] : memref<2x10000x128xf32, #tpu.memory_space<hbm>> -> memref<1x16x128xf32, #tpu.memory_space<hbm>>
        %dma_start3A_97 = tpu.memref_squeeze %dma_start3A_96 : memref<1x16x128xf32, #tpu.memory_space<hbm>> -> memref<16x128xf32, #tpu.memory_space<hbm>>
        %dma_start3A_98 = arith.constant 9984 : i32
        %dma_start3A_99 = arith.constant 0 : i32
        %dma_start3A_100 = tpu.memref_slice %arg7[%dma_start3A_98, %dma_start3A_99] : memref<10000x128xf32, #tpu.memory_space<vmem_shared>> -> memref<16x128xf32, #tpu.memory_space<vmem_shared>>
        tpu.enqueue_dma source(%dma_start3A_100 : memref<16x128xf32, #tpu.memory_space<vmem_shared>>) target(%dma_start3A_97 : memref<16x128xf32, #tpu.memory_space<hbm>>) target_semaphore(%run_scoped3A : memref<!tpu.dma_semaphore, #tpu.memory_space<semaphore_mem>>)
        %dma_wait3A_101 = arith.constant 9984 : i32
        %dma_wait3A_102 = arith.constant 0 : i32
        %dma_wait3A_103 = tpu.memref_slice %arg4[%arg0, %dma_wait3A_101, %dma_wait3A_102] : memref<2x10000x128xf32, #tpu.memory_space<hbm>> -> memref<1x16x128xf32, #tpu.memory_space<hbm>>
        %dma_wait3A_104 = tpu.memref_squeeze %dma_wait3A_103 : memref<1x16x128xf32, #tpu.memory_space<hbm>> -> memref<16x128xf32, #tpu.memory_space<hbm>>
        %dma_wait3A_105 = arith.constant 9984 : i32
        %dma_wait3A_106 = arith.constant 0 : i32
        %dma_wait3A_107 = tpu.memref_slice %arg7[%dma_wait3A_105, %dma_wait3A_106] : memref<10000x128xf32, #tpu.memory_space<vmem_shared>> -> memref<16x128xf32, #tpu.memory_space<vmem_shared>>
        tpu.wait_dma2 semaphore(%run_scoped3A : memref<!tpu.dma_semaphore, #tpu.memory_space<semaphore_mem>>) src(%dma_wait3A_107 : memref<16x128xf32, #tpu.memory_space<vmem_shared>>) dst(%dma_wait3A_104 : memref<16x128xf32, #tpu.memory_space<hbm>>)
        tpu.yield
      }) : () -> ()
    } else {
    }
    return
  }
}

#map = affine_map<(d0, d1) -> (0, 0)>
#map1 = affine_map<(d0, d1) -> (0, 0, 0)>
module attributes {stable_mosaic.version = 14 : i64} {
  func.func @_deg_kernel_body(%arg0: i32, %arg1: i32, %arg2: memref<10000x16xf32, #tpu.memory_space<hbm>>, %arg3: memref<32x125x80xi32, #tpu.memory_space<hbm>>, %arg4: memref<2x10000x16xf32, #tpu.memory_space<hbm>>, %arg5: memref<125x80xi32, #tpu.memory_space<vmem>>, %arg6: memref<80x16xf32, #tpu.memory_space<vmem>>, %arg7: memref<10000x16xf32, #tpu.memory_space<vmem_shared>>, %arg8: memref<!tpu.dma_semaphore, #tpu.memory_space<semaphore_mem>>) attributes {dimension_semantics = [#tpu.dimension_semantics<core_parallel>, #tpu.dimension_semantics<subcore_parallel>], iteration_bounds = array<i64: 2, 16>, scalar_prefetch = 0 : i64, scratch_operands = 4 : i64, tpu.core_type = #tpu.core_type<sc_vector_subcore>, window_params = [{transform_indices = #map}, {transform_indices = #map1}, {transform_indices = #map1}]} {
    %mul3A = arith.constant 16 : i32
    %mul3A_0 = arith.muli %arg0, %mul3A : i32
    %add3A = arith.addi %mul3A_0, %arg1 : i32
    %mul3A_1 = arith.constant 624 : i32
    %mul3A_2 = arith.muli %arg1, %mul3A_1 : i32
    "tpu.region"() ({
      %run_scoped3A = tpu.sem_alloc : memref<!tpu.dma_semaphore, #tpu.memory_space<semaphore_mem>>
      %dma_start3A = arith.constant 0 : i32
      %dma_start3A_22 = tpu.memref_slice %arg7[%mul3A_2, %dma_start3A] : memref<10000x16xf32, #tpu.memory_space<vmem_shared>> -> memref<624x16xf32, #tpu.memory_space<vmem_shared>>
      %dma_start3A_23 = arith.constant 0 : i32
      %dma_start3A_24 = tpu.memref_slice %arg2[%mul3A_2, %dma_start3A_23] : memref<10000x16xf32, #tpu.memory_space<hbm>> -> memref<624x16xf32, #tpu.memory_space<hbm>>
      tpu.enqueue_dma source(%dma_start3A_24 : memref<624x16xf32, #tpu.memory_space<hbm>>) target(%dma_start3A_22 : memref<624x16xf32, #tpu.memory_space<vmem_shared>>) target_semaphore(%run_scoped3A : memref<!tpu.dma_semaphore, #tpu.memory_space<semaphore_mem>>)
      %dma_wait3A = arith.constant 0 : i32
      %dma_wait3A_25 = tpu.memref_slice %arg7[%mul3A_2, %dma_wait3A] : memref<10000x16xf32, #tpu.memory_space<vmem_shared>> -> memref<624x16xf32, #tpu.memory_space<vmem_shared>>
      %dma_wait3A_26 = arith.constant 0 : i32
      %dma_wait3A_27 = tpu.memref_slice %arg2[%mul3A_2, %dma_wait3A_26] : memref<10000x16xf32, #tpu.memory_space<hbm>> -> memref<624x16xf32, #tpu.memory_space<hbm>>
      tpu.wait_dma2 semaphore(%run_scoped3A : memref<!tpu.dma_semaphore, #tpu.memory_space<semaphore_mem>>) src(%dma_wait3A_27 : memref<624x16xf32, #tpu.memory_space<hbm>>) dst(%dma_wait3A_25 : memref<624x16xf32, #tpu.memory_space<vmem_shared>>)
      tpu.yield
    }) : () -> ()
    %eq3A = arith.constant 15 : i32
    %eq3A_3 = arith.cmpi eq, %arg1, %eq3A : i32
    %convert_element_type3A = arith.extui %eq3A_3 : i1 to i32
    %cond3A = arith.constant 0 : i32
    %cond3A_4 = arith.cmpi ne, %convert_element_type3A, %cond3A : i32
    scf.if %cond3A_4 {
      "tpu.region"() ({
        %run_scoped3A = tpu.sem_alloc : memref<!tpu.dma_semaphore, #tpu.memory_space<semaphore_mem>>
        %dma_start3A = arith.constant 9984 : i32
        %dma_start3A_22 = arith.constant 0 : i32
        %dma_start3A_23 = tpu.memref_slice %arg7[%dma_start3A, %dma_start3A_22] : memref<10000x16xf32, #tpu.memory_space<vmem_shared>> -> memref<16x16xf32, #tpu.memory_space<vmem_shared>>
        %dma_start3A_24 = arith.constant 9984 : i32
        %dma_start3A_25 = arith.constant 0 : i32
        %dma_start3A_26 = tpu.memref_slice %arg2[%dma_start3A_24, %dma_start3A_25] : memref<10000x16xf32, #tpu.memory_space<hbm>> -> memref<16x16xf32, #tpu.memory_space<hbm>>
        tpu.enqueue_dma source(%dma_start3A_26 : memref<16x16xf32, #tpu.memory_space<hbm>>) target(%dma_start3A_23 : memref<16x16xf32, #tpu.memory_space<vmem_shared>>) target_semaphore(%run_scoped3A : memref<!tpu.dma_semaphore, #tpu.memory_space<semaphore_mem>>)
        %dma_wait3A = arith.constant 9984 : i32
        %dma_wait3A_27 = arith.constant 0 : i32
        %dma_wait3A_28 = tpu.memref_slice %arg7[%dma_wait3A, %dma_wait3A_27] : memref<10000x16xf32, #tpu.memory_space<vmem_shared>> -> memref<16x16xf32, #tpu.memory_space<vmem_shared>>
        %dma_wait3A_29 = arith.constant 9984 : i32
        %dma_wait3A_30 = arith.constant 0 : i32
        %dma_wait3A_31 = tpu.memref_slice %arg2[%dma_wait3A_29, %dma_wait3A_30] : memref<10000x16xf32, #tpu.memory_space<hbm>> -> memref<16x16xf32, #tpu.memory_space<hbm>>
        tpu.wait_dma2 semaphore(%run_scoped3A : memref<!tpu.dma_semaphore, #tpu.memory_space<semaphore_mem>>) src(%dma_wait3A_31 : memref<16x16xf32, #tpu.memory_space<hbm>>) dst(%dma_wait3A_28 : memref<16x16xf32, #tpu.memory_space<vmem_shared>>)
        tpu.yield
      }) : () -> ()
    } else {
    }
    "tpu.region"() ({
      %run_scoped3A = tpu.sem_alloc : memref<!tpu.dma_semaphore, #tpu.memory_space<semaphore_mem>>
      %dma_start3A = arith.constant 0 : i32
      %dma_start3A_22 = arith.constant 0 : i32
      %dma_start3A_23 = tpu.memref_slice %arg3[%add3A, %dma_start3A, %dma_start3A_22] : memref<32x125x80xi32, #tpu.memory_space<hbm>> -> memref<1x125x80xi32, #tpu.memory_space<hbm>>
      %dma_start3A_24 = tpu.memref_squeeze %dma_start3A_23 : memref<1x125x80xi32, #tpu.memory_space<hbm>> -> memref<125x80xi32, #tpu.memory_space<hbm>>
      %dma_start3A_25 = arith.constant 0 : i32
      %dma_start3A_26 = arith.constant 0 : i32
      %dma_start3A_27 = tpu.memref_slice %arg3[%add3A, %dma_start3A_25, %dma_start3A_26] : memref<32x125x80xi32, #tpu.memory_space<hbm>> -> memref<1x125x80xi32, #tpu.memory_space<hbm>>
      %dma_start3A_28 = tpu.memref_squeeze %dma_start3A_27 : memref<1x125x80xi32, #tpu.memory_space<hbm>> -> memref<125x80xi32, #tpu.memory_space<hbm>>
      tpu.enqueue_dma source(%dma_start3A_28 : memref<125x80xi32, #tpu.memory_space<hbm>>) target(%arg5 : memref<125x80xi32, #tpu.memory_space<vmem>>) target_semaphore(%run_scoped3A : memref<!tpu.dma_semaphore, #tpu.memory_space<semaphore_mem>>)
      %dma_wait3A = arith.constant 0 : i32
      %dma_wait3A_29 = arith.constant 0 : i32
      %dma_wait3A_30 = tpu.memref_slice %arg3[%add3A, %dma_wait3A, %dma_wait3A_29] : memref<32x125x80xi32, #tpu.memory_space<hbm>> -> memref<1x125x80xi32, #tpu.memory_space<hbm>>
      %dma_wait3A_31 = tpu.memref_squeeze %dma_wait3A_30 : memref<1x125x80xi32, #tpu.memory_space<hbm>> -> memref<125x80xi32, #tpu.memory_space<hbm>>
      %dma_wait3A_32 = arith.constant 0 : i32
      %dma_wait3A_33 = arith.constant 0 : i32
      %dma_wait3A_34 = tpu.memref_slice %arg3[%add3A, %dma_wait3A_32, %dma_wait3A_33] : memref<32x125x80xi32, #tpu.memory_space<hbm>> -> memref<1x125x80xi32, #tpu.memory_space<hbm>>
      %dma_wait3A_35 = tpu.memref_squeeze %dma_wait3A_34 : memref<1x125x80xi32, #tpu.memory_space<hbm>> -> memref<125x80xi32, #tpu.memory_space<hbm>>
      tpu.wait_dma2 semaphore(%run_scoped3A : memref<!tpu.dma_semaphore, #tpu.memory_space<semaphore_mem>>) src(%dma_wait3A_35 : memref<125x80xi32, #tpu.memory_space<hbm>>) dst(%arg5 : memref<125x80xi32, #tpu.memory_space<vmem>>)
      tpu.yield
    }) : () -> ()
    "tpu.region"() ({
      %run_scoped3A = tpu.sem_alloc : memref<!tpu.dma_semaphore, #tpu.memory_space<semaphore_mem>>
      %dma_start3A = arith.constant 0 : i32
      %dma_start3A_22 = arith.constant 0 : i32
      %dma_start3A_23 = tpu.memref_slice %arg2[%dma_start3A, %dma_start3A_22] : memref<10000x16xf32, #tpu.memory_space<hbm>> -> memref<80x16xf32, #tpu.memory_space<hbm>>
      %dma_start3A_24 = arith.constant 0 : i32
      %dma_start3A_25 = arith.constant 0 : i32
      %dma_start3A_26 = tpu.memref_slice %arg2[%dma_start3A_24, %dma_start3A_25] : memref<10000x16xf32, #tpu.memory_space<hbm>> -> memref<80x16xf32, #tpu.memory_space<hbm>>
      tpu.enqueue_dma source(%dma_start3A_26 : memref<80x16xf32, #tpu.memory_space<hbm>>) target(%arg6 : memref<80x16xf32, #tpu.memory_space<vmem>>) target_semaphore(%run_scoped3A : memref<!tpu.dma_semaphore, #tpu.memory_space<semaphore_mem>>)
      %dma_wait3A = arith.constant 0 : i32
      %dma_wait3A_27 = arith.constant 0 : i32
      %dma_wait3A_28 = tpu.memref_slice %arg2[%dma_wait3A, %dma_wait3A_27] : memref<10000x16xf32, #tpu.memory_space<hbm>> -> memref<80x16xf32, #tpu.memory_space<hbm>>
      %dma_wait3A_29 = arith.constant 0 : i32
      %dma_wait3A_30 = arith.constant 0 : i32
      %dma_wait3A_31 = tpu.memref_slice %arg2[%dma_wait3A_29, %dma_wait3A_30] : memref<10000x16xf32, #tpu.memory_space<hbm>> -> memref<80x16xf32, #tpu.memory_space<hbm>>
      tpu.wait_dma2 semaphore(%run_scoped3A : memref<!tpu.dma_semaphore, #tpu.memory_space<semaphore_mem>>) src(%dma_wait3A_31 : memref<80x16xf32, #tpu.memory_space<hbm>>) dst(%arg6 : memref<80x16xf32, #tpu.memory_space<vmem>>)
      tpu.yield
    }) : () -> ()
    %barrier3A = arith.constant 0 : index
    tpu.barrier barrier_id(%barrier3A)
    %scan3A = arith.constant 0 : i32
    %scan3A_5 = arith.constant 0 : i32
    %scan3A_6 = arith.constant 125 : i32
    %scan3A_7 = arith.addi %scan3A_5, %scan3A_6 : i32
    %scan3A_8 = arith.constant 1 : i32
    scf.for %scan3A_22 = %scan3A_5 to %scan3A_7 step %scan3A_8  : i32 {
      %dma_start3A = arith.constant 0 : i32
      %dma_start3A_23 = tpu.memref_slice %arg5[%scan3A_22, %dma_start3A] : memref<125x80xi32, #tpu.memory_space<vmem>> -> memref<1x80xi32, #tpu.memory_space<vmem>>
      %dma_start3A_24 = tpu.memref_squeeze %dma_start3A_23 : memref<1x80xi32, #tpu.memory_space<vmem>> -> memref<80xi32, #tpu.memory_space<vmem>>
      %dma_start3A_25 = arith.constant 0 : i32
      %dma_start3A_26 = arith.constant 0 : i32
      %dma_start3A_27 = tpu.memref_slice %arg7[%dma_start3A_25, %dma_start3A_26] : memref<10000x16xf32, #tpu.memory_space<vmem_shared>> -> memref<10000x16xf32, #tpu.memory_space<vmem_shared>>
      tpu.enqueue_indirect_dma source(%arg6 : memref<80x16xf32, #tpu.memory_space<vmem>>) target(%dma_start3A_27 : memref<10000x16xf32, #tpu.memory_space<vmem_shared>>) offsets(%dma_start3A_24 : memref<80xi32, #tpu.memory_space<vmem>>) semaphore(%arg8 : memref<!tpu.dma_semaphore, #tpu.memory_space<semaphore_mem>>) {add = true}
      %ge3A = arith.constant 4 : i32
      %ge3A_28 = arith.cmpi sge, %scan3A_22, %ge3A : i32
      %convert_element_type3A_29 = arith.extui %ge3A_28 : i1 to i32
      %cond3A_30 = arith.constant 0 : i32
      %cond3A_31 = arith.cmpi ne, %convert_element_type3A_29, %cond3A_30 : i32
      scf.if %cond3A_31 {
        %sub3A = arith.constant 4 : i32
        %sub3A_32 = arith.subi %scan3A_22, %sub3A : i32
        %dma_wait3A = arith.constant 0 : i32
        %dma_wait3A_33 = tpu.memref_slice %arg5[%sub3A_32, %dma_wait3A] : memref<125x80xi32, #tpu.memory_space<vmem>> -> memref<1x80xi32, #tpu.memory_space<vmem>>
        %dma_wait3A_34 = tpu.memref_squeeze %dma_wait3A_33 : memref<1x80xi32, #tpu.memory_space<vmem>> -> memref<80xi32, #tpu.memory_space<vmem>>
        %dma_wait3A_35 = arith.constant 0 : i32
        %dma_wait3A_36 = arith.constant 0 : i32
        %dma_wait3A_37 = tpu.memref_slice %arg7[%dma_wait3A_35, %dma_wait3A_36] : memref<10000x16xf32, #tpu.memory_space<vmem_shared>> -> memref<10000x16xf32, #tpu.memory_space<vmem_shared>>
        tpu.wait_indirect_dma semaphore(%arg8 : memref<!tpu.dma_semaphore, #tpu.memory_space<semaphore_mem>>) src(%arg6 : memref<80x16xf32, #tpu.memory_space<vmem>>) dst(%dma_wait3A_37 : memref<10000x16xf32, #tpu.memory_space<vmem_shared>>)
      } else {
      }
    }
    %scan3A_9 = arith.constant 125 : i32
    %scan3A_10 = arith.constant 0 : i32
    %scan3A_11 = arith.constant 121 : i32
    %scan3A_12 = arith.constant 4 : i32
    %scan3A_13 = arith.addi %scan3A_11, %scan3A_12 : i32
    %scan3A_14 = arith.constant 1 : i32
    scf.for %scan3A_22 = %scan3A_11 to %scan3A_13 step %scan3A_14  : i32 {
      %dma_wait3A = arith.constant 0 : i32
      %dma_wait3A_23 = tpu.memref_slice %arg5[%scan3A_22, %dma_wait3A] : memref<125x80xi32, #tpu.memory_space<vmem>> -> memref<1x80xi32, #tpu.memory_space<vmem>>
      %dma_wait3A_24 = tpu.memref_squeeze %dma_wait3A_23 : memref<1x80xi32, #tpu.memory_space<vmem>> -> memref<80xi32, #tpu.memory_space<vmem>>
      %dma_wait3A_25 = arith.constant 0 : i32
      %dma_wait3A_26 = arith.constant 0 : i32
      %dma_wait3A_27 = tpu.memref_slice %arg7[%dma_wait3A_25, %dma_wait3A_26] : memref<10000x16xf32, #tpu.memory_space<vmem_shared>> -> memref<10000x16xf32, #tpu.memory_space<vmem_shared>>
      tpu.wait_indirect_dma semaphore(%arg8 : memref<!tpu.dma_semaphore, #tpu.memory_space<semaphore_mem>>) src(%arg6 : memref<80x16xf32, #tpu.memory_space<vmem>>) dst(%dma_wait3A_27 : memref<10000x16xf32, #tpu.memory_space<vmem_shared>>)
    }
    %scan3A_15 = arith.constant 4 : i32
    %barrier3A_16 = arith.constant 0 : index
    tpu.barrier barrier_id(%barrier3A_16)
    "tpu.region"() ({
      %run_scoped3A = tpu.sem_alloc : memref<!tpu.dma_semaphore, #tpu.memory_space<semaphore_mem>>
      %dma_start3A = arith.constant 0 : i32
      %dma_start3A_22 = tpu.memref_slice %arg4[%arg0, %mul3A_2, %dma_start3A] : memref<2x10000x16xf32, #tpu.memory_space<hbm>> -> memref<1x624x16xf32, #tpu.memory_space<hbm>>
      %dma_start3A_23 = tpu.memref_squeeze %dma_start3A_22 : memref<1x624x16xf32, #tpu.memory_space<hbm>> -> memref<624x16xf32, #tpu.memory_space<hbm>>
      %dma_start3A_24 = arith.constant 0 : i32
      %dma_start3A_25 = tpu.memref_slice %arg7[%mul3A_2, %dma_start3A_24] : memref<10000x16xf32, #tpu.memory_space<vmem_shared>> -> memref<624x16xf32, #tpu.memory_space<vmem_shared>>
      tpu.enqueue_dma source(%dma_start3A_25 : memref<624x16xf32, #tpu.memory_space<vmem_shared>>) target(%dma_start3A_23 : memref<624x16xf32, #tpu.memory_space<hbm>>) target_semaphore(%run_scoped3A : memref<!tpu.dma_semaphore, #tpu.memory_space<semaphore_mem>>)
      %dma_wait3A = arith.constant 0 : i32
      %dma_wait3A_26 = tpu.memref_slice %arg4[%arg0, %mul3A_2, %dma_wait3A] : memref<2x10000x16xf32, #tpu.memory_space<hbm>> -> memref<1x624x16xf32, #tpu.memory_space<hbm>>
      %dma_wait3A_27 = tpu.memref_squeeze %dma_wait3A_26 : memref<1x624x16xf32, #tpu.memory_space<hbm>> -> memref<624x16xf32, #tpu.memory_space<hbm>>
      %dma_wait3A_28 = arith.constant 0 : i32
      %dma_wait3A_29 = tpu.memref_slice %arg7[%mul3A_2, %dma_wait3A_28] : memref<10000x16xf32, #tpu.memory_space<vmem_shared>> -> memref<624x16xf32, #tpu.memory_space<vmem_shared>>
      tpu.wait_dma2 semaphore(%run_scoped3A : memref<!tpu.dma_semaphore, #tpu.memory_space<semaphore_mem>>) src(%dma_wait3A_29 : memref<624x16xf32, #tpu.memory_space<vmem_shared>>) dst(%dma_wait3A_27 : memref<624x16xf32, #tpu.memory_space<hbm>>)
      tpu.yield
    }) : () -> ()
    %eq3A_17 = arith.constant 15 : i32
    %eq3A_18 = arith.cmpi eq, %arg1, %eq3A_17 : i32
    %convert_element_type3A_19 = arith.extui %eq3A_18 : i1 to i32
    %cond3A_20 = arith.constant 0 : i32
    %cond3A_21 = arith.cmpi ne, %convert_element_type3A_19, %cond3A_20 : i32
    scf.if %cond3A_21 {
      "tpu.region"() ({
        %run_scoped3A = tpu.sem_alloc : memref<!tpu.dma_semaphore, #tpu.memory_space<semaphore_mem>>
        %dma_start3A = arith.constant 9984 : i32
        %dma_start3A_22 = arith.constant 0 : i32
        %dma_start3A_23 = tpu.memref_slice %arg4[%arg0, %dma_start3A, %dma_start3A_22] : memref<2x10000x16xf32, #tpu.memory_space<hbm>> -> memref<1x16x16xf32, #tpu.memory_space<hbm>>
        %dma_start3A_24 = tpu.memref_squeeze %dma_start3A_23 : memref<1x16x16xf32, #tpu.memory_space<hbm>> -> memref<16x16xf32, #tpu.memory_space<hbm>>
        %dma_start3A_25 = arith.constant 9984 : i32
        %dma_start3A_26 = arith.constant 0 : i32
        %dma_start3A_27 = tpu.memref_slice %arg7[%dma_start3A_25, %dma_start3A_26] : memref<10000x16xf32, #tpu.memory_space<vmem_shared>> -> memref<16x16xf32, #tpu.memory_space<vmem_shared>>
        tpu.enqueue_dma source(%dma_start3A_27 : memref<16x16xf32, #tpu.memory_space<vmem_shared>>) target(%dma_start3A_24 : memref<16x16xf32, #tpu.memory_space<hbm>>) target_semaphore(%run_scoped3A : memref<!tpu.dma_semaphore, #tpu.memory_space<semaphore_mem>>)
        %dma_wait3A = arith.constant 9984 : i32
        %dma_wait3A_28 = arith.constant 0 : i32
        %dma_wait3A_29 = tpu.memref_slice %arg4[%arg0, %dma_wait3A, %dma_wait3A_28] : memref<2x10000x16xf32, #tpu.memory_space<hbm>> -> memref<1x16x16xf32, #tpu.memory_space<hbm>>
        %dma_wait3A_30 = tpu.memref_squeeze %dma_wait3A_29 : memref<1x16x16xf32, #tpu.memory_space<hbm>> -> memref<16x16xf32, #tpu.memory_space<hbm>>
        %dma_wait3A_31 = arith.constant 9984 : i32
        %dma_wait3A_32 = arith.constant 0 : i32
        %dma_wait3A_33 = tpu.memref_slice %arg7[%dma_wait3A_31, %dma_wait3A_32] : memref<10000x16xf32, #tpu.memory_space<vmem_shared>> -> memref<16x16xf32, #tpu.memory_space<vmem_shared>>
        tpu.wait_dma2 semaphore(%run_scoped3A : memref<!tpu.dma_semaphore, #tpu.memory_space<semaphore_mem>>) src(%dma_wait3A_33 : memref<16x16xf32, #tpu.memory_space<vmem_shared>>) dst(%dma_wait3A_30 : memref<16x16xf32, #tpu.memory_space<hbm>>)
        tpu.yield
      }) : () -> ()
    } else {
    }
    return
  }
}

#map = affine_map<(d0, d1) -> (0, 0)>
#map1 = affine_map<(d0, d1) -> (0, 0, 0, 0)>
#map2 = affine_map<(d0, d1) -> (0, 0, 0)>
module attributes {stable_mosaic.version = 14 : i64} {
  func.func @_edge_kernel_body(%arg0: i32, %arg1: i32, %arg2: memref<10000x128xf32, #tpu.memory_space<hbm>>, %arg3: memref<32x125x2x80xi32, #tpu.memory_space<hbm>>, %arg4: memref<2x10000x128xf32, #tpu.memory_space<hbm>>, %arg5: memref<3x2x80xi32, #tpu.memory_space<vmem>>, %arg6: memref<2x80x128xf32, #tpu.memory_space<vmem>>, %arg7: memref<10000x128xf32, #tpu.memory_space<vmem_shared>>, %arg8: memref<!tpu.dma_semaphore, #tpu.memory_space<semaphore_mem>>, %arg9: memref<!tpu.dma_semaphore, #tpu.memory_space<semaphore_mem>>, %arg10: memref<!tpu.dma_semaphore, #tpu.memory_space<semaphore_mem>>) attributes {dimension_semantics = [#tpu.dimension_semantics<core_parallel>, #tpu.dimension_semantics<subcore_parallel>], iteration_bounds = array<i64: 2, 16>, scalar_prefetch = 0 : i64, scratch_operands = 6 : i64, tpu.core_type = #tpu.core_type<sc_vector_subcore>, window_params = [{transform_indices = #map}, {transform_indices = #map1}, {transform_indices = #map2}]} {
    %mul3A = arith.constant 16 : i32
    %mul3A_0 = arith.muli %arg0, %mul3A : i32
    %add3A = arith.addi %mul3A_0, %arg1 : i32
    %mul3A_1 = arith.constant 624 : i32
    %mul3A_2 = arith.muli %arg1, %mul3A_1 : i32
    "tpu.region"() ({
      %run_scoped3A = tpu.sem_alloc : memref<!tpu.dma_semaphore, #tpu.memory_space<semaphore_mem>>
      %dma_start3A_94 = arith.constant 0 : i32
      %dma_start3A_95 = tpu.memref_slice %arg7[%mul3A_2, %dma_start3A_94] : memref<10000x128xf32, #tpu.memory_space<vmem_shared>> -> memref<624x128xf32, #tpu.memory_space<vmem_shared>>
      %dma_start3A_96 = arith.constant 0 : i32
      %dma_start3A_97 = tpu.memref_slice %arg2[%mul3A_2, %dma_start3A_96] : memref<10000x128xf32, #tpu.memory_space<hbm>> -> memref<624x128xf32, #tpu.memory_space<hbm>>
      tpu.enqueue_dma source(%dma_start3A_97 : memref<624x128xf32, #tpu.memory_space<hbm>>) target(%dma_start3A_95 : memref<624x128xf32, #tpu.memory_space<vmem_shared>>) target_semaphore(%run_scoped3A : memref<!tpu.dma_semaphore, #tpu.memory_space<semaphore_mem>>)
      %dma_wait3A_98 = arith.constant 0 : i32
      %dma_wait3A_99 = tpu.memref_slice %arg7[%mul3A_2, %dma_wait3A_98] : memref<10000x128xf32, #tpu.memory_space<vmem_shared>> -> memref<624x128xf32, #tpu.memory_space<vmem_shared>>
      %dma_wait3A_100 = arith.constant 0 : i32
      %dma_wait3A_101 = tpu.memref_slice %arg2[%mul3A_2, %dma_wait3A_100] : memref<10000x128xf32, #tpu.memory_space<hbm>> -> memref<624x128xf32, #tpu.memory_space<hbm>>
      tpu.wait_dma2 semaphore(%run_scoped3A : memref<!tpu.dma_semaphore, #tpu.memory_space<semaphore_mem>>) src(%dma_wait3A_101 : memref<624x128xf32, #tpu.memory_space<hbm>>) dst(%dma_wait3A_99 : memref<624x128xf32, #tpu.memory_space<vmem_shared>>)
      tpu.yield
    }) : () -> ()
    %eq3A = arith.constant 15 : i32
    %eq3A_3 = arith.cmpi eq, %arg1, %eq3A : i32
    %convert_element_type3A = arith.extui %eq3A_3 : i1 to i32
    %cond3A = arith.constant 0 : i32
    %cond3A_4 = arith.cmpi ne, %convert_element_type3A, %cond3A : i32
    scf.if %cond3A_4 {
      "tpu.region"() ({
        %run_scoped3A = tpu.sem_alloc : memref<!tpu.dma_semaphore, #tpu.memory_space<semaphore_mem>>
        %dma_start3A_94 = arith.constant 9984 : i32
        %dma_start3A_95 = arith.constant 0 : i32
        %dma_start3A_96 = tpu.memref_slice %arg7[%dma_start3A_94, %dma_start3A_95] : memref<10000x128xf32, #tpu.memory_space<vmem_shared>> -> memref<16x128xf32, #tpu.memory_space<vmem_shared>>
        %dma_start3A_97 = arith.constant 9984 : i32
        %dma_start3A_98 = arith.constant 0 : i32
        %dma_start3A_99 = tpu.memref_slice %arg2[%dma_start3A_97, %dma_start3A_98] : memref<10000x128xf32, #tpu.memory_space<hbm>> -> memref<16x128xf32, #tpu.memory_space<hbm>>
        tpu.enqueue_dma source(%dma_start3A_99 : memref<16x128xf32, #tpu.memory_space<hbm>>) target(%dma_start3A_96 : memref<16x128xf32, #tpu.memory_space<vmem_shared>>) target_semaphore(%run_scoped3A : memref<!tpu.dma_semaphore, #tpu.memory_space<semaphore_mem>>)
        %dma_wait3A_100 = arith.constant 9984 : i32
        %dma_wait3A_101 = arith.constant 0 : i32
        %dma_wait3A_102 = tpu.memref_slice %arg7[%dma_wait3A_100, %dma_wait3A_101] : memref<10000x128xf32, #tpu.memory_space<vmem_shared>> -> memref<16x128xf32, #tpu.memory_space<vmem_shared>>
        %dma_wait3A_103 = arith.constant 9984 : i32
        %dma_wait3A_104 = arith.constant 0 : i32
        %dma_wait3A_105 = tpu.memref_slice %arg2[%dma_wait3A_103, %dma_wait3A_104] : memref<10000x128xf32, #tpu.memory_space<hbm>> -> memref<16x128xf32, #tpu.memory_space<hbm>>
        tpu.wait_dma2 semaphore(%run_scoped3A : memref<!tpu.dma_semaphore, #tpu.memory_space<semaphore_mem>>) src(%dma_wait3A_105 : memref<16x128xf32, #tpu.memory_space<hbm>>) dst(%dma_wait3A_102 : memref<16x128xf32, #tpu.memory_space<vmem_shared>>)
        tpu.yield
      }) : () -> ()
    } else {
    }
    %barrier3A = arith.constant 0 : index
    tpu.barrier barrier_id(%barrier3A)
    %dma_start3A = arith.constant 0 : i32
    %dma_start3A_5 = arith.constant 0 : i32
    %dma_start3A_6 = arith.constant 0 : i32
    %dma_start3A_7 = arith.constant 0 : i32
    %dma_start3A_8 = tpu.memref_slice %arg5[%dma_start3A_5, %dma_start3A_6, %dma_start3A_7] : memref<3x2x80xi32, #tpu.memory_space<vmem>> -> memref<1x2x80xi32, #tpu.memory_space<vmem>>
    %dma_start3A_9 = tpu.memref_squeeze %dma_start3A_8 : memref<1x2x80xi32, #tpu.memory_space<vmem>> -> memref<2x80xi32, #tpu.memory_space<vmem>>
    %dma_start3A_10 = arith.constant 0 : i32
    %dma_start3A_11 = arith.constant 0 : i32
    %dma_start3A_12 = tpu.memref_slice %arg3[%add3A, %dma_start3A, %dma_start3A_10, %dma_start3A_11] : memref<32x125x2x80xi32, #tpu.memory_space<hbm>> -> memref<1x1x2x80xi32, #tpu.memory_space<hbm>>
    %dma_start3A_13 = tpu.memref_squeeze %dma_start3A_12 : memref<1x1x2x80xi32, #tpu.memory_space<hbm>> -> memref<2x80xi32, #tpu.memory_space<hbm>>
    %dma_start3A_14 = arith.constant 0 : i32
    %dma_start3A_15 = arith.constant 0 : i32
    %dma_start3A_16 = tpu.memref_slice %arg5[%dma_start3A_5, %dma_start3A_14, %dma_start3A_15] : memref<3x2x80xi32, #tpu.memory_space<vmem>> -> memref<1x2x80xi32, #tpu.memory_space<vmem>>
    %dma_start3A_17 = tpu.memref_squeeze %dma_start3A_16 : memref<1x2x80xi32, #tpu.memory_space<vmem>> -> memref<2x80xi32, #tpu.memory_space<vmem>>
    %dma_start3A_18 = arith.constant 0 : i32
    %dma_start3A_19 = arith.constant 0 : i32
    %dma_start3A_20 = tpu.memref_slice %arg3[%add3A, %dma_start3A, %dma_start3A_18, %dma_start3A_19] : memref<32x125x2x80xi32, #tpu.memory_space<hbm>> -> memref<1x1x2x80xi32, #tpu.memory_space<hbm>>
    %dma_start3A_21 = tpu.memref_squeeze %dma_start3A_20 : memref<1x1x2x80xi32, #tpu.memory_space<hbm>> -> memref<2x80xi32, #tpu.memory_space<hbm>>
    tpu.enqueue_dma source(%dma_start3A_21 : memref<2x80xi32, #tpu.memory_space<hbm>>) target(%dma_start3A_17 : memref<2x80xi32, #tpu.memory_space<vmem>>) target_semaphore(%arg8 : memref<!tpu.dma_semaphore, #tpu.memory_space<semaphore_mem>>)
    %dma_start3A_22 = arith.constant 1 : i32
    %dma_start3A_23 = arith.constant 1 : i32
    %dma_start3A_24 = arith.constant 0 : i32
    %dma_start3A_25 = arith.constant 0 : i32
    %dma_start3A_26 = tpu.memref_slice %arg5[%dma_start3A_23, %dma_start3A_24, %dma_start3A_25] : memref<3x2x80xi32, #tpu.memory_space<vmem>> -> memref<1x2x80xi32, #tpu.memory_space<vmem>>
    %dma_start3A_27 = tpu.memref_squeeze %dma_start3A_26 : memref<1x2x80xi32, #tpu.memory_space<vmem>> -> memref<2x80xi32, #tpu.memory_space<vmem>>
    %dma_start3A_28 = arith.constant 0 : i32
    %dma_start3A_29 = arith.constant 0 : i32
    %dma_start3A_30 = tpu.memref_slice %arg3[%add3A, %dma_start3A_22, %dma_start3A_28, %dma_start3A_29] : memref<32x125x2x80xi32, #tpu.memory_space<hbm>> -> memref<1x1x2x80xi32, #tpu.memory_space<hbm>>
    %dma_start3A_31 = tpu.memref_squeeze %dma_start3A_30 : memref<1x1x2x80xi32, #tpu.memory_space<hbm>> -> memref<2x80xi32, #tpu.memory_space<hbm>>
    %dma_start3A_32 = arith.constant 0 : i32
    %dma_start3A_33 = arith.constant 0 : i32
    %dma_start3A_34 = tpu.memref_slice %arg5[%dma_start3A_23, %dma_start3A_32, %dma_start3A_33] : memref<3x2x80xi32, #tpu.memory_space<vmem>> -> memref<1x2x80xi32, #tpu.memory_space<vmem>>
    %dma_start3A_35 = tpu.memref_squeeze %dma_start3A_34 : memref<1x2x80xi32, #tpu.memory_space<vmem>> -> memref<2x80xi32, #tpu.memory_space<vmem>>
    %dma_start3A_36 = arith.constant 0 : i32
    %dma_start3A_37 = arith.constant 0 : i32
    %dma_start3A_38 = tpu.memref_slice %arg3[%add3A, %dma_start3A_22, %dma_start3A_36, %dma_start3A_37] : memref<32x125x2x80xi32, #tpu.memory_space<hbm>> -> memref<1x1x2x80xi32, #tpu.memory_space<hbm>>
    %dma_start3A_39 = tpu.memref_squeeze %dma_start3A_38 : memref<1x1x2x80xi32, #tpu.memory_space<hbm>> -> memref<2x80xi32, #tpu.memory_space<hbm>>
    tpu.enqueue_dma source(%dma_start3A_39 : memref<2x80xi32, #tpu.memory_space<hbm>>) target(%dma_start3A_35 : memref<2x80xi32, #tpu.memory_space<vmem>>) target_semaphore(%arg8 : memref<!tpu.dma_semaphore, #tpu.memory_space<semaphore_mem>>)
    %dma_wait3A = arith.constant 0 : i32
    %dma_wait3A_40 = arith.constant 0 : i32
    %dma_wait3A_41 = arith.constant 0 : i32
    %dma_wait3A_42 = arith.constant 0 : i32
    %dma_wait3A_43 = tpu.memref_slice %arg5[%dma_wait3A_40, %dma_wait3A_41, %dma_wait3A_42] : memref<3x2x80xi32, #tpu.memory_space<vmem>> -> memref<1x2x80xi32, #tpu.memory_space<vmem>>
    %dma_wait3A_44 = tpu.memref_squeeze %dma_wait3A_43 : memref<1x2x80xi32, #tpu.memory_space<vmem>> -> memref<2x80xi32, #tpu.memory_space<vmem>>
    %dma_wait3A_45 = arith.constant 0 : i32
    %dma_wait3A_46 = arith.constant 0 : i32
    %dma_wait3A_47 = tpu.memref_slice %arg3[%add3A, %dma_wait3A, %dma_wait3A_45, %dma_wait3A_46] : memref<32x125x2x80xi32, #tpu.memory_space<hbm>> -> memref<1x1x2x80xi32, #tpu.memory_space<hbm>>
    %dma_wait3A_48 = tpu.memref_squeeze %dma_wait3A_47 : memref<1x1x2x80xi32, #tpu.memory_space<hbm>> -> memref<2x80xi32, #tpu.memory_space<hbm>>
    %dma_wait3A_49 = arith.constant 0 : i32
    %dma_wait3A_50 = arith.constant 0 : i32
    %dma_wait3A_51 = tpu.memref_slice %arg5[%dma_wait3A_40, %dma_wait3A_49, %dma_wait3A_50] : memref<3x2x80xi32, #tpu.memory_space<vmem>> -> memref<1x2x80xi32, #tpu.memory_space<vmem>>
    %dma_wait3A_52 = tpu.memref_squeeze %dma_wait3A_51 : memref<1x2x80xi32, #tpu.memory_space<vmem>> -> memref<2x80xi32, #tpu.memory_space<vmem>>
    %dma_wait3A_53 = arith.constant 0 : i32
    %dma_wait3A_54 = arith.constant 0 : i32
    %dma_wait3A_55 = tpu.memref_slice %arg3[%add3A, %dma_wait3A, %dma_wait3A_53, %dma_wait3A_54] : memref<32x125x2x80xi32, #tpu.memory_space<hbm>> -> memref<1x1x2x80xi32, #tpu.memory_space<hbm>>
    %dma_wait3A_56 = tpu.memref_squeeze %dma_wait3A_55 : memref<1x1x2x80xi32, #tpu.memory_space<hbm>> -> memref<2x80xi32, #tpu.memory_space<hbm>>
    tpu.wait_dma2 semaphore(%arg8 : memref<!tpu.dma_semaphore, #tpu.memory_space<semaphore_mem>>) src(%dma_wait3A_56 : memref<2x80xi32, #tpu.memory_space<hbm>>) dst(%dma_wait3A_52 : memref<2x80xi32, #tpu.memory_space<vmem>>)
    %dma_start3A_57 = arith.constant 0 : i32
    %dma_start3A_58 = arith.constant 0 : i32
    %dma_start3A_59 = arith.constant 0 : i32
    %dma_start3A_60 = arith.constant 0 : i32
    %dma_start3A_61 = arith.constant 0 : i32
    %dma_start3A_62 = tpu.memref_slice %arg6[%dma_start3A_59, %dma_start3A_60, %dma_start3A_61] : memref<2x80x128xf32, #tpu.memory_space<vmem>> -> memref<1x80x128xf32, #tpu.memory_space<vmem>>
    %dma_start3A_63 = tpu.memref_squeeze %dma_start3A_62 : memref<1x80x128xf32, #tpu.memory_space<vmem>> -> memref<80x128xf32, #tpu.memory_space<vmem>>
    %dma_start3A_64 = arith.constant 0 : i32
    %dma_start3A_65 = tpu.memref_slice %arg5[%dma_start3A_57, %dma_start3A_58, %dma_start3A_64] : memref<3x2x80xi32, #tpu.memory_space<vmem>> -> memref<1x1x80xi32, #tpu.memory_space<vmem>>
    %dma_start3A_66 = tpu.memref_squeeze %dma_start3A_65 : memref<1x1x80xi32, #tpu.memory_space<vmem>> -> memref<80xi32, #tpu.memory_space<vmem>>
    %dma_start3A_67 = arith.constant 0 : i32
    %dma_start3A_68 = arith.constant 0 : i32
    %dma_start3A_69 = tpu.memref_slice %arg2[%dma_start3A_67, %dma_start3A_68] : memref<10000x128xf32, #tpu.memory_space<hbm>> -> memref<10000x128xf32, #tpu.memory_space<hbm>>
    tpu.enqueue_indirect_dma source(%dma_start3A_69 : memref<10000x128xf32, #tpu.memory_space<hbm>>) target(%dma_start3A_63 : memref<80x128xf32, #tpu.memory_space<vmem>>) offsets(%dma_start3A_66 : memref<80xi32, #tpu.memory_space<vmem>>) semaphore(%arg9 : memref<!tpu.dma_semaphore, #tpu.memory_space<semaphore_mem>>)
    %scan3A = arith.constant 0 : i32
    %scan3A_70 = arith.constant 0 : i32
    %scan3A_71 = arith.constant 125 : i32
    %scan3A_72 = arith.addi %scan3A_70, %scan3A_71 : i32
    %scan3A_73 = arith.constant 1 : i32
    scf.for %scan3A_94 = %scan3A_70 to %scan3A_72 step %scan3A_73  : i32 {
      %rem3A = arith.constant 3 : i32
      %rem3A_95 = arith.remsi %scan3A_94, %rem3A : i32
      %rem3A_96 = arith.constant 2 : i32
      %rem3A_97 = arith.remsi %scan3A_94, %rem3A_96 : i32
      %dma_wait3A_98 = arith.constant 0 : i32
      %dma_wait3A_99 = arith.constant 0 : i32
      %dma_wait3A_100 = arith.constant 0 : i32
      %dma_wait3A_101 = tpu.memref_slice %arg6[%rem3A_97, %dma_wait3A_99, %dma_wait3A_100] : memref<2x80x128xf32, #tpu.memory_space<vmem>> -> memref<1x80x128xf32, #tpu.memory_space<vmem>>
      %dma_wait3A_102 = tpu.memref_squeeze %dma_wait3A_101 : memref<1x80x128xf32, #tpu.memory_space<vmem>> -> memref<80x128xf32, #tpu.memory_space<vmem>>
      %dma_wait3A_103 = arith.constant 0 : i32
      %dma_wait3A_104 = tpu.memref_slice %arg5[%rem3A_95, %dma_wait3A_98, %dma_wait3A_103] : memref<3x2x80xi32, #tpu.memory_space<vmem>> -> memref<1x1x80xi32, #tpu.memory_space<vmem>>
      %dma_wait3A_105 = tpu.memref_squeeze %dma_wait3A_104 : memref<1x1x80xi32, #tpu.memory_space<vmem>> -> memref<80xi32, #tpu.memory_space<vmem>>
      %dma_wait3A_106 = arith.constant 0 : i32
      %dma_wait3A_107 = arith.constant 0 : i32
      %dma_wait3A_108 = tpu.memref_slice %arg2[%dma_wait3A_106, %dma_wait3A_107] : memref<10000x128xf32, #tpu.memory_space<hbm>> -> memref<10000x128xf32, #tpu.memory_space<hbm>>
      tpu.wait_indirect_dma semaphore(%arg9 : memref<!tpu.dma_semaphore, #tpu.memory_space<semaphore_mem>>) src(%dma_wait3A_108 : memref<10000x128xf32, #tpu.memory_space<hbm>>) dst(%dma_wait3A_102 : memref<80x128xf32, #tpu.memory_space<vmem>>)
      %ge3A = arith.constant 1 : i32
      %ge3A_109 = arith.cmpi sge, %scan3A_94, %ge3A : i32
      %convert_element_type3A_110 = arith.extui %ge3A_109 : i1 to i32
      %cond3A_111 = arith.constant 0 : i32
      %cond3A_112 = arith.cmpi ne, %convert_element_type3A_110, %cond3A_111 : i32
      scf.if %cond3A_112 {
        %sub3A = arith.constant 1 : i32
        %sub3A_133 = arith.subi %sub3A, %rem3A_97 : i32
        %add3A_134 = arith.constant 2 : i32
        %add3A_135 = arith.addi %scan3A_94, %add3A_134 : i32
        %rem3A_136 = arith.constant 3 : i32
        %rem3A_137 = arith.remsi %add3A_135, %rem3A_136 : i32
        %dma_wait3A_138 = arith.constant 1 : i32
        %dma_wait3A_139 = arith.constant 0 : i32
        %dma_wait3A_140 = arith.constant 0 : i32
        %dma_wait3A_141 = tpu.memref_slice %arg6[%sub3A_133, %dma_wait3A_139, %dma_wait3A_140] : memref<2x80x128xf32, #tpu.memory_space<vmem>> -> memref<1x80x128xf32, #tpu.memory_space<vmem>>
        %dma_wait3A_142 = tpu.memref_squeeze %dma_wait3A_141 : memref<1x80x128xf32, #tpu.memory_space<vmem>> -> memref<80x128xf32, #tpu.memory_space<vmem>>
        %dma_wait3A_143 = arith.constant 0 : i32
        %dma_wait3A_144 = tpu.memref_slice %arg5[%rem3A_137, %dma_wait3A_138, %dma_wait3A_143] : memref<3x2x80xi32, #tpu.memory_space<vmem>> -> memref<1x1x80xi32, #tpu.memory_space<vmem>>
        %dma_wait3A_145 = tpu.memref_squeeze %dma_wait3A_144 : memref<1x1x80xi32, #tpu.memory_space<vmem>> -> memref<80xi32, #tpu.memory_space<vmem>>
        %dma_wait3A_146 = arith.constant 0 : i32
        %dma_wait3A_147 = arith.constant 0 : i32
        %dma_wait3A_148 = tpu.memref_slice %arg7[%dma_wait3A_146, %dma_wait3A_147] : memref<10000x128xf32, #tpu.memory_space<vmem_shared>> -> memref<10000x128xf32, #tpu.memory_space<vmem_shared>>
        tpu.wait_indirect_dma semaphore(%arg10 : memref<!tpu.dma_semaphore, #tpu.memory_space<semaphore_mem>>) src(%dma_wait3A_142 : memref<80x128xf32, #tpu.memory_space<vmem>>) dst(%dma_wait3A_148 : memref<10000x128xf32, #tpu.memory_space<vmem_shared>>)
      } else {
      }
      %lt3A = arith.constant 124 : i32
      %lt3A_113 = arith.cmpi slt, %scan3A_94, %lt3A : i32
      %convert_element_type3A_114 = arith.extui %lt3A_113 : i1 to i32
      %cond3A_115 = arith.constant 0 : i32
      %cond3A_116 = arith.cmpi ne, %convert_element_type3A_114, %cond3A_115 : i32
      scf.if %cond3A_116 {
        %add3A_133 = arith.constant 1 : i32
        %add3A_134 = arith.addi %scan3A_94, %add3A_133 : i32
        %rem3A_135 = arith.constant 3 : i32
        %rem3A_136 = arith.remsi %add3A_134, %rem3A_135 : i32
        %add3A_137 = arith.constant 1 : i32
        %add3A_138 = arith.addi %scan3A_94, %add3A_137 : i32
        %dma_wait3A_139 = arith.constant 0 : i32
        %dma_wait3A_140 = arith.constant 0 : i32
        %dma_wait3A_141 = tpu.memref_slice %arg5[%rem3A_136, %dma_wait3A_139, %dma_wait3A_140] : memref<3x2x80xi32, #tpu.memory_space<vmem>> -> memref<1x2x80xi32, #tpu.memory_space<vmem>>
        %dma_wait3A_142 = tpu.memref_squeeze %dma_wait3A_141 : memref<1x2x80xi32, #tpu.memory_space<vmem>> -> memref<2x80xi32, #tpu.memory_space<vmem>>
        %dma_wait3A_143 = arith.constant 0 : i32
        %dma_wait3A_144 = arith.constant 0 : i32
        %dma_wait3A_145 = tpu.memref_slice %arg3[%add3A, %add3A_138, %dma_wait3A_143, %dma_wait3A_144] : memref<32x125x2x80xi32, #tpu.memory_space<hbm>> -> memref<1x1x2x80xi32, #tpu.memory_space<hbm>>
        %dma_wait3A_146 = tpu.memref_squeeze %dma_wait3A_145 : memref<1x1x2x80xi32, #tpu.memory_space<hbm>> -> memref<2x80xi32, #tpu.memory_space<hbm>>
        %dma_wait3A_147 = arith.constant 0 : i32
        %dma_wait3A_148 = arith.constant 0 : i32
        %dma_wait3A_149 = tpu.memref_slice %arg5[%rem3A_136, %dma_wait3A_147, %dma_wait3A_148] : memref<3x2x80xi32, #tpu.memory_space<vmem>> -> memref<1x2x80xi32, #tpu.memory_space<vmem>>
        %dma_wait3A_150 = tpu.memref_squeeze %dma_wait3A_149 : memref<1x2x80xi32, #tpu.memory_space<vmem>> -> memref<2x80xi32, #tpu.memory_space<vmem>>
        %dma_wait3A_151 = arith.constant 0 : i32
        %dma_wait3A_152 = arith.constant 0 : i32
        %dma_wait3A_153 = tpu.memref_slice %arg3[%add3A, %add3A_138, %dma_wait3A_151, %dma_wait3A_152] : memref<32x125x2x80xi32, #tpu.memory_space<hbm>> -> memref<1x1x2x80xi32, #tpu.memory_space<hbm>>
        %dma_wait3A_154 = tpu.memref_squeeze %dma_wait3A_153 : memref<1x1x2x80xi32, #tpu.memory_space<hbm>> -> memref<2x80xi32, #tpu.memory_space<hbm>>
        tpu.wait_dma2 semaphore(%arg8 : memref<!tpu.dma_semaphore, #tpu.memory_space<semaphore_mem>>) src(%dma_wait3A_154 : memref<2x80xi32, #tpu.memory_space<hbm>>) dst(%dma_wait3A_150 : memref<2x80xi32, #tpu.memory_space<vmem>>)
        %sub3A = arith.constant 1 : i32
        %sub3A_155 = arith.subi %sub3A, %rem3A_97 : i32
        %dma_start3A_156 = arith.constant 0 : i32
        %dma_start3A_157 = arith.constant 0 : i32
        %dma_start3A_158 = arith.constant 0 : i32
        %dma_start3A_159 = tpu.memref_slice %arg6[%sub3A_155, %dma_start3A_157, %dma_start3A_158] : memref<2x80x128xf32, #tpu.memory_space<vmem>> -> memref<1x80x128xf32, #tpu.memory_space<vmem>>
        %dma_start3A_160 = tpu.memref_squeeze %dma_start3A_159 : memref<1x80x128xf32, #tpu.memory_space<vmem>> -> memref<80x128xf32, #tpu.memory_space<vmem>>
        %dma_start3A_161 = arith.constant 0 : i32
        %dma_start3A_162 = tpu.memref_slice %arg5[%rem3A_136, %dma_start3A_156, %dma_start3A_161] : memref<3x2x80xi32, #tpu.memory_space<vmem>> -> memref<1x1x80xi32, #tpu.memory_space<vmem>>
        %dma_start3A_163 = tpu.memref_squeeze %dma_start3A_162 : memref<1x1x80xi32, #tpu.memory_space<vmem>> -> memref<80xi32, #tpu.memory_space<vmem>>
        %dma_start3A_164 = arith.constant 0 : i32
        %dma_start3A_165 = arith.constant 0 : i32
        %dma_start3A_166 = tpu.memref_slice %arg2[%dma_start3A_164, %dma_start3A_165] : memref<10000x128xf32, #tpu.memory_space<hbm>> -> memref<10000x128xf32, #tpu.memory_space<hbm>>
        tpu.enqueue_indirect_dma source(%dma_start3A_166 : memref<10000x128xf32, #tpu.memory_space<hbm>>) target(%dma_start3A_160 : memref<80x128xf32, #tpu.memory_space<vmem>>) offsets(%dma_start3A_163 : memref<80xi32, #tpu.memory_space<vmem>>) semaphore(%arg9 : memref<!tpu.dma_semaphore, #tpu.memory_space<semaphore_mem>>)
      } else {
      }
      %lt3A_117 = arith.constant 123 : i32
      %lt3A_118 = arith.cmpi slt, %scan3A_94, %lt3A_117 : i32
      %convert_element_type3A_119 = arith.extui %lt3A_118 : i1 to i32
      %cond3A_120 = arith.constant 0 : i32
      %cond3A_121 = arith.cmpi ne, %convert_element_type3A_119, %cond3A_120 : i32
      scf.if %cond3A_121 {
        %add3A_133 = arith.constant 2 : i32
        %add3A_134 = arith.addi %scan3A_94, %add3A_133 : i32
        %add3A_135 = arith.constant 2 : i32
        %add3A_136 = arith.addi %scan3A_94, %add3A_135 : i32
        %rem3A_137 = arith.constant 3 : i32
        %rem3A_138 = arith.remsi %add3A_136, %rem3A_137 : i32
        %dma_start3A_139 = arith.constant 0 : i32
        %dma_start3A_140 = arith.constant 0 : i32
        %dma_start3A_141 = tpu.memref_slice %arg5[%rem3A_138, %dma_start3A_139, %dma_start3A_140] : memref<3x2x80xi32, #tpu.memory_space<vmem>> -> memref<1x2x80xi32, #tpu.memory_space<vmem>>
        %dma_start3A_142 = tpu.memref_squeeze %dma_start3A_141 : memref<1x2x80xi32, #tpu.memory_space<vmem>> -> memref<2x80xi32, #tpu.memory_space<vmem>>
        %dma_start3A_143 = arith.constant 0 : i32
        %dma_start3A_144 = arith.constant 0 : i32
        %dma_start3A_145 = tpu.memref_slice %arg3[%add3A, %add3A_134, %dma_start3A_143, %dma_start3A_144] : memref<32x125x2x80xi32, #tpu.memory_space<hbm>> -> memref<1x1x2x80xi32, #tpu.memory_space<hbm>>
        %dma_start3A_146 = tpu.memref_squeeze %dma_start3A_145 : memref<1x1x2x80xi32, #tpu.memory_space<hbm>> -> memref<2x80xi32, #tpu.memory_space<hbm>>
        %dma_start3A_147 = arith.constant 0 : i32
        %dma_start3A_148 = arith.constant 0 : i32
        %dma_start3A_149 = tpu.memref_slice %arg5[%rem3A_138, %dma_start3A_147, %dma_start3A_148] : memref<3x2x80xi32, #tpu.memory_space<vmem>> -> memref<1x2x80xi32, #tpu.memory_space<vmem>>
        %dma_start3A_150 = tpu.memref_squeeze %dma_start3A_149 : memref<1x2x80xi32, #tpu.memory_space<vmem>> -> memref<2x80xi32, #tpu.memory_space<vmem>>
        %dma_start3A_151 = arith.constant 0 : i32
        %dma_start3A_152 = arith.constant 0 : i32
        %dma_start3A_153 = tpu.memref_slice %arg3[%add3A, %add3A_134, %dma_start3A_151, %dma_start3A_152] : memref<32x125x2x80xi32, #tpu.memory_space<hbm>> -> memref<1x1x2x80xi32, #tpu.memory_space<hbm>>
        %dma_start3A_154 = tpu.memref_squeeze %dma_start3A_153 : memref<1x1x2x80xi32, #tpu.memory_space<hbm>> -> memref<2x80xi32, #tpu.memory_space<hbm>>
        tpu.enqueue_dma source(%dma_start3A_154 : memref<2x80xi32, #tpu.memory_space<hbm>>) target(%dma_start3A_150 : memref<2x80xi32, #tpu.memory_space<vmem>>) target_semaphore(%arg8 : memref<!tpu.dma_semaphore, #tpu.memory_space<semaphore_mem>>)
      } else {
      }
      %dma_start3A_122 = arith.constant 1 : i32
      %dma_start3A_123 = arith.constant 0 : i32
      %dma_start3A_124 = arith.constant 0 : i32
      %dma_start3A_125 = tpu.memref_slice %arg6[%rem3A_97, %dma_start3A_123, %dma_start3A_124] : memref<2x80x128xf32, #tpu.memory_space<vmem>> -> memref<1x80x128xf32, #tpu.memory_space<vmem>>
      %dma_start3A_126 = tpu.memref_squeeze %dma_start3A_125 : memref<1x80x128xf32, #tpu.memory_space<vmem>> -> memref<80x128xf32, #tpu.memory_space<vmem>>
      %dma_start3A_127 = arith.constant 0 : i32
      %dma_start3A_128 = tpu.memref_slice %arg5[%rem3A_95, %dma_start3A_122, %dma_start3A_127] : memref<3x2x80xi32, #tpu.memory_space<vmem>> -> memref<1x1x80xi32, #tpu.memory_space<vmem>>
      %dma_start3A_129 = tpu.memref_squeeze %dma_start3A_128 : memref<1x1x80xi32, #tpu.memory_space<vmem>> -> memref<80xi32, #tpu.memory_space<vmem>>
      %dma_start3A_130 = arith.constant 0 : i32
      %dma_start3A_131 = arith.constant 0 : i32
      %dma_start3A_132 = tpu.memref_slice %arg7[%dma_start3A_130, %dma_start3A_131] : memref<10000x128xf32, #tpu.memory_space<vmem_shared>> -> memref<10000x128xf32, #tpu.memory_space<vmem_shared>>
      tpu.enqueue_indirect_dma source(%dma_start3A_126 : memref<80x128xf32, #tpu.memory_space<vmem>>) target(%dma_start3A_132 : memref<10000x128xf32, #tpu.memory_space<vmem_shared>>) offsets(%dma_start3A_129 : memref<80xi32, #tpu.memory_space<vmem>>) semaphore(%arg10 : memref<!tpu.dma_semaphore, #tpu.memory_space<semaphore_mem>>) {add = true}
    }
    %scan3A_74 = arith.constant 125 : i32
    %dma_wait3A_75 = arith.constant 0 : i32
    %dma_wait3A_76 = arith.constant 1 : i32
    %dma_wait3A_77 = arith.constant 1 : i32
    %dma_wait3A_78 = arith.constant 0 : i32
    %dma_wait3A_79 = arith.constant 0 : i32
    %dma_wait3A_80 = tpu.memref_slice %arg6[%dma_wait3A_75, %dma_wait3A_78, %dma_wait3A_79] : memref<2x80x128xf32, #tpu.memory_space<vmem>> -> memref<1x80x128xf32, #tpu.memory_space<vmem>>
    %dma_wait3A_81 = tpu.memref_squeeze %dma_wait3A_80 : memref<1x80x128xf32, #tpu.memory_space<vmem>> -> memref<80x128xf32, #tpu.memory_space<vmem>>
    %dma_wait3A_82 = arith.constant 0 : i32
    %dma_wait3A_83 = tpu.memref_slice %arg5[%dma_wait3A_76, %dma_wait3A_77, %dma_wait3A_82] : memref<3x2x80xi32, #tpu.memory_space<vmem>> -> memref<1x1x80xi32, #tpu.memory_space<vmem>>
    %dma_wait3A_84 = tpu.memref_squeeze %dma_wait3A_83 : memref<1x1x80xi32, #tpu.memory_space<vmem>> -> memref<80xi32, #tpu.memory_space<vmem>>
    %dma_wait3A_85 = arith.constant 0 : i32
    %dma_wait3A_86 = arith.constant 0 : i32
    %dma_wait3A_87 = tpu.memref_slice %arg7[%dma_wait3A_85, %dma_wait3A_86] : memref<10000x128xf32, #tpu.memory_space<vmem_shared>> -> memref<10000x128xf32, #tpu.memory_space<vmem_shared>>
    tpu.wait_indirect_dma semaphore(%arg10 : memref<!tpu.dma_semaphore, #tpu.memory_space<semaphore_mem>>) src(%dma_wait3A_81 : memref<80x128xf32, #tpu.memory_space<vmem>>) dst(%dma_wait3A_87 : memref<10000x128xf32, #tpu.memory_space<vmem_shared>>)
    %barrier3A_88 = arith.constant 0 : index
    tpu.barrier barrier_id(%barrier3A_88)
    "tpu.region"() ({
      %run_scoped3A = tpu.sem_alloc : memref<!tpu.dma_semaphore, #tpu.memory_space<semaphore_mem>>
      %dma_start3A_94 = arith.constant 0 : i32
      %dma_start3A_95 = tpu.memref_slice %arg4[%arg0, %mul3A_2, %dma_start3A_94] : memref<2x10000x128xf32, #tpu.memory_space<hbm>> -> memref<1x624x128xf32, #tpu.memory_space<hbm>>
      %dma_start3A_96 = tpu.memref_squeeze %dma_start3A_95 : memref<1x624x128xf32, #tpu.memory_space<hbm>> -> memref<624x128xf32, #tpu.memory_space<hbm>>
      %dma_start3A_97 = arith.constant 0 : i32
      %dma_start3A_98 = tpu.memref_slice %arg7[%mul3A_2, %dma_start3A_97] : memref<10000x128xf32, #tpu.memory_space<vmem_shared>> -> memref<624x128xf32, #tpu.memory_space<vmem_shared>>
      tpu.enqueue_dma source(%dma_start3A_98 : memref<624x128xf32, #tpu.memory_space<vmem_shared>>) target(%dma_start3A_96 : memref<624x128xf32, #tpu.memory_space<hbm>>) target_semaphore(%run_scoped3A : memref<!tpu.dma_semaphore, #tpu.memory_space<semaphore_mem>>)
      %dma_wait3A_99 = arith.constant 0 : i32
      %dma_wait3A_100 = tpu.memref_slice %arg4[%arg0, %mul3A_2, %dma_wait3A_99] : memref<2x10000x128xf32, #tpu.memory_space<hbm>> -> memref<1x624x128xf32, #tpu.memory_space<hbm>>
      %dma_wait3A_101 = tpu.memref_squeeze %dma_wait3A_100 : memref<1x624x128xf32, #tpu.memory_space<hbm>> -> memref<624x128xf32, #tpu.memory_space<hbm>>
      %dma_wait3A_102 = arith.constant 0 : i32
      %dma_wait3A_103 = tpu.memref_slice %arg7[%mul3A_2, %dma_wait3A_102] : memref<10000x128xf32, #tpu.memory_space<vmem_shared>> -> memref<624x128xf32, #tpu.memory_space<vmem_shared>>
      tpu.wait_dma2 semaphore(%run_scoped3A : memref<!tpu.dma_semaphore, #tpu.memory_space<semaphore_mem>>) src(%dma_wait3A_103 : memref<624x128xf32, #tpu.memory_space<vmem_shared>>) dst(%dma_wait3A_101 : memref<624x128xf32, #tpu.memory_space<hbm>>)
      tpu.yield
    }) : () -> ()
    %eq3A_89 = arith.constant 15 : i32
    %eq3A_90 = arith.cmpi eq, %arg1, %eq3A_89 : i32
    %convert_element_type3A_91 = arith.extui %eq3A_90 : i1 to i32
    %cond3A_92 = arith.constant 0 : i32
    %cond3A_93 = arith.cmpi ne, %convert_element_type3A_91, %cond3A_92 : i32
    scf.if %cond3A_93 {
      "tpu.region"() ({
        %run_scoped3A = tpu.sem_alloc : memref<!tpu.dma_semaphore, #tpu.memory_space<semaphore_mem>>
        %dma_start3A_94 = arith.constant 9984 : i32
        %dma_start3A_95 = arith.constant 0 : i32
        %dma_start3A_96 = tpu.memref_slice %arg4[%arg0, %dma_start3A_94, %dma_start3A_95] : memref<2x10000x128xf32, #tpu.memory_space<hbm>> -> memref<1x16x128xf32, #tpu.memory_space<hbm>>
        %dma_start3A_97 = tpu.memref_squeeze %dma_start3A_96 : memref<1x16x128xf32, #tpu.memory_space<hbm>> -> memref<16x128xf32, #tpu.memory_space<hbm>>
        %dma_start3A_98 = arith.constant 9984 : i32
        %dma_start3A_99 = arith.constant 0 : i32
        %dma_start3A_100 = tpu.memref_slice %arg7[%dma_start3A_98, %dma_start3A_99] : memref<10000x128xf32, #tpu.memory_space<vmem_shared>> -> memref<16x128xf32, #tpu.memory_space<vmem_shared>>
        tpu.enqueue_dma source(%dma_start3A_100 : memref<16x128xf32, #tpu.memory_space<vmem_shared>>) target(%dma_start3A_97 : memref<16x128xf32, #tpu.memory_space<hbm>>) target_semaphore(%run_scoped3A : memref<!tpu.dma_semaphore, #tpu.memory_space<semaphore_mem>>)
        %dma_wait3A_101 = arith.constant 9984 : i32
        %dma_wait3A_102 = arith.constant 0 : i32
        %dma_wait3A_103 = tpu.memref_slice %arg4[%arg0, %dma_wait3A_101, %dma_wait3A_102] : memref<2x10000x128xf32, #tpu.memory_space<hbm>> -> memref<1x16x128xf32, #tpu.memory_space<hbm>>
        %dma_wait3A_104 = tpu.memref_squeeze %dma_wait3A_103 : memref<1x16x128xf32, #tpu.memory_space<hbm>> -> memref<16x128xf32, #tpu.memory_space<hbm>>
        %dma_wait3A_105 = arith.constant 9984 : i32
        %dma_wait3A_106 = arith.constant 0 : i32
        %dma_wait3A_107 = tpu.memref_slice %arg7[%dma_wait3A_105, %dma_wait3A_106] : memref<10000x128xf32, #tpu.memory_space<vmem_shared>> -> memref<16x128xf32, #tpu.memory_space<vmem_shared>>
        tpu.wait_dma2 semaphore(%run_scoped3A : memref<!tpu.dma_semaphore, #tpu.memory_space<semaphore_mem>>) src(%dma_wait3A_107 : memref<16x128xf32, #tpu.memory_space<vmem_shared>>) dst(%dma_wait3A_104 : memref<16x128xf32, #tpu.memory_space<hbm>>)
        tpu.yield
      }) : () -> ()
    } else {
    }
    return
  }
}

module attributes {stable_mosaic.version = 14 : i64} {
  func.func @_tc1_body(%arg0: i32, %arg1: memref<1000x128xf32, #tpu.memory_space<vmem>>, %arg2: memref<128x128xf32, #tpu.memory_space<vmem>>, %arg3: memref<1x128xf32, #tpu.memory_space<vmem>>, %arg4: memref<128x128xf32, #tpu.memory_space<vmem>>, %arg5: memref<2x1000x16xf32, #tpu.memory_space<vmem>>, %arg6: memref<1000x128xf32, #tpu.memory_space<vmem>>) attributes {dimension_semantics = [#tpu.dimension_semantics<arbitrary>], iteration_bounds = array<i64: 10>, scalar_prefetch = 0 : i64, scratch_operands = 0 : i64, tpu.core_type = #tpu.core_type<tc>, window_params = [{transform_indices = @transform_0, window_bounds = array<i64: 1000, 128>}, {pipeline_mode = #tpu.pipeline_mode<synchronous>, transform_indices = @transform_1, window_bounds = array<i64: 128, 128>}, {pipeline_mode = #tpu.pipeline_mode<synchronous>, transform_indices = @transform_2, window_bounds = array<i64: 1, 128>}, {pipeline_mode = #tpu.pipeline_mode<synchronous>, transform_indices = @transform_3, window_bounds = array<i64: 128, 128>}, {transform_indices = @transform_4, window_bounds = array<i64: 2, 1000, 16>}, {transform_indices = @transform_5, window_bounds = array<i64: 1000, 128>}]} {
    %get3A = arith.constant 0 : index
    %get3A_0 = arith.constant 0 : index
    %get3A_1 = vector.load %arg1[%get3A, %get3A_0] : memref<1000x128xf32, #tpu.memory_space<vmem>>, vector<1000x128xf32>
    %get3A_2 = arith.constant 0 : index
    %get3A_3 = arith.constant 0 : index
    %get3A_4 = vector.load %arg2[%get3A_2, %get3A_3] : memref<128x128xf32, #tpu.memory_space<vmem>>, vector<128x128xf32>
    %dot_general3A = arith.constant dense<0.000000e+00> : vector<1000x128xf32>
    %dot_general3A_5 = tpu.matmul %get3A_1, %get3A_4, %dot_general3A {dimension_numbers = #tpu.dot_dimension_numbers<[1], [0], [0], [1], [0, 0, 1, 1], [], []>, transpose_lhs_hint = false} : vector<1000x128xf32>, vector<128x128xf32>, vector<1000x128xf32> -> vector<1000x128xf32>
    %get3A_6 = arith.constant 0 : index
    %get3A_7 = arith.constant 0 : index
    %get3A_8 = vector.load %arg3[%get3A_6, %get3A_7] : memref<1x128xf32, #tpu.memory_space<vmem>>, vector<1x128xf32>
    %add3A = vector.broadcast %get3A_8 : vector<1x128xf32> to vector<1000x128xf32>
    %add3A_9 = arith.addf %dot_general3A_5, %add3A : vector<1000x128xf32>
    %max3A = arith.constant 0.000000e+00 : f32
    %max3A_10 = vector.broadcast %max3A : f32 to vector<1000x128xf32>
    %max3A_11 = arith.maximumf %add3A_9, %max3A_10 : vector<1000x128xf32>
    %get3A_12 = arith.constant 0 : index
    %get3A_13 = arith.constant 0 : index
    %get3A_14 = arith.constant 0 : index
    %get3A_15 = vector.load %arg5[%get3A_12, %get3A_13, %get3A_14] : memref<2x1000x16xf32, #tpu.memory_space<vmem>>, vector<1x1000x16xf32>
    %get3A_16 = vector.shape_cast %get3A_15 : vector<1x1000x16xf32> to vector<1000x16xf32>
    %reduce_max3A = arith.constant dense<0xFF800000> : vector<1000xf32>
    %reduce_max3A_17 = vector.multi_reduction <maximumf>, %get3A_16, %reduce_max3A [1] : vector<1000x16xf32> to vector<1000xf32>
    %get3A_18 = arith.constant 1 : index
    %get3A_19 = arith.constant 0 : index
    %get3A_20 = arith.constant 0 : index
    %get3A_21 = vector.load %arg5[%get3A_18, %get3A_19, %get3A_20] : memref<2x1000x16xf32, #tpu.memory_space<vmem>>, vector<1x1000x16xf32>
    %get3A_22 = vector.shape_cast %get3A_21 : vector<1x1000x16xf32> to vector<1000x16xf32>
    %reduce_max3A_23 = arith.constant dense<0xFF800000> : vector<1000xf32>
    %reduce_max3A_24 = vector.multi_reduction <maximumf>, %get3A_22, %reduce_max3A_23 [1] : vector<1000x16xf32> to vector<1000xf32>
    %add3A_25 = arith.addf %reduce_max3A_17, %reduce_max3A_24 : vector<1000xf32>
    %sub3A = arith.constant 1.000000e+00 : f32
    %sub3A_26 = vector.broadcast %sub3A : f32 to vector<1000xf32>
    %sub3A_27 = arith.subf %add3A_25, %sub3A_26 : vector<1000xf32>
    %rsqrt3A = math.rsqrt %sub3A_27 : vector<1000xf32>
    %get3A_28 = arith.constant 0 : index
    %get3A_29 = arith.constant 0 : index
    %get3A_30 = vector.load %arg4[%get3A_28, %get3A_29] : memref<128x128xf32, #tpu.memory_space<vmem>>, vector<128x128xf32>
    %dot_general3A_31 = arith.constant dense<0.000000e+00> : vector<1000x128xf32>
    %dot_general3A_32 = tpu.matmul %max3A_11, %get3A_30, %dot_general3A_31 {dimension_numbers = #tpu.dot_dimension_numbers<[1], [0], [0], [1], [0, 0, 1, 1], [], []>, transpose_lhs_hint = false} : vector<1000x128xf32>, vector<128x128xf32>, vector<1000x128xf32> -> vector<1000x128xf32>
    %broadcast_in_dim3A = vector.shape_cast %rsqrt3A : vector<1000xf32> to vector<1000x1xf32>
    %mul3A = vector.broadcast %broadcast_in_dim3A : vector<1000x1xf32> to vector<1000x128xf32>
    %mul3A_33 = arith.mulf %dot_general3A_32, %mul3A : vector<1000x128xf32>
    %swap3A = arith.constant 0 : index
    %swap3A_34 = arith.constant 0 : index
    %swap3A_35 = vector.load %arg6[%swap3A, %swap3A_34] : memref<1000x128xf32, #tpu.memory_space<vmem>>, vector<1000x128xf32>
    tpu.vector_store %arg6[%swap3A, %swap3A_34], %mul3A_33 {strides = array<i32>} : memref<1000x128xf32, #tpu.memory_space<vmem>>, vector<1000x128xf32>,
    return
  }
  func.func @transform_0(%arg0: i32) -> (i32, i32) {
    %c0_i32 = arith.constant 0 : i32
    %c0_i32_0 = arith.constant 0 : i32
    return %arg0, %c0_i32 : i32, i32
  }
  func.func @transform_1(%arg0: i32) -> (i32, i32) {
    %c0_i32 = arith.constant 0 : i32
    %c0_i32_0 = arith.constant 0 : i32
    %c0_i32_1 = arith.constant 0 : i32
    return %c0_i32, %c0_i32_0 : i32, i32
  }
  func.func @transform_2(%arg0: i32) -> (i32, i32) {
    %c0_i32 = arith.constant 0 : i32
    %c0_i32_0 = arith.constant 0 : i32
    %c0_i32_1 = arith.constant 0 : i32
    return %c0_i32, %c0_i32_0 : i32, i32
  }
  func.func @transform_3(%arg0: i32) -> (i32, i32) {
    %c0_i32 = arith.constant 0 : i32
    %c0_i32_0 = arith.constant 0 : i32
    %c0_i32_1 = arith.constant 0 : i32
    return %c0_i32, %c0_i32_0 : i32, i32
  }
  func.func @transform_4(%arg0: i32) -> (i32, i32, i32) {
    %c0_i32 = arith.constant 0 : i32
    %c0_i32_0 = arith.constant 0 : i32
    %c0_i32_1 = arith.constant 0 : i32
    return %c0_i32, %arg0, %c0_i32_0 : i32, i32, i32
  }
  func.func @transform_5(%arg0: i32) -> (i32, i32) {
    %c0_i32 = arith.constant 0 : i32
    %c0_i32_0 = arith.constant 0 : i32
    return %arg0, %c0_i32 : i32, i32
  }
}

module attributes {stable_mosaic.version = 14 : i64} {
  func.func @_tc2_body(%arg0: i32, %arg1: memref<2x1000x128xf32, #tpu.memory_space<vmem>>, %arg2: memref<1000x128xf32, #tpu.memory_space<vmem>>, %arg3: memref<2x1000x16xf32, #tpu.memory_space<vmem>>, %arg4: memref<1x128xf32, #tpu.memory_space<vmem>>, %arg5: memref<128x128xf32, #tpu.memory_space<vmem>>, %arg6: memref<1000x128xf32, #tpu.memory_space<vmem>>) attributes {dimension_semantics = [#tpu.dimension_semantics<arbitrary>], iteration_bounds = array<i64: 10>, scalar_prefetch = 0 : i64, scratch_operands = 0 : i64, tpu.core_type = #tpu.core_type<tc>, window_params = [{transform_indices = @transform_0, window_bounds = array<i64: 2, 1000, 128>}, {transform_indices = @transform_1, window_bounds = array<i64: 1000, 128>}, {transform_indices = @transform_2, window_bounds = array<i64: 2, 1000, 16>}, {pipeline_mode = #tpu.pipeline_mode<synchronous>, transform_indices = @transform_3, window_bounds = array<i64: 1, 128>}, {pipeline_mode = #tpu.pipeline_mode<synchronous>, transform_indices = @transform_4, window_bounds = array<i64: 128, 128>}, {transform_indices = @transform_5, window_bounds = array<i64: 1000, 128>}]} {
    %get3A = arith.constant 0 : index
    %get3A_0 = arith.constant 0 : index
    %get3A_1 = arith.constant 0 : index
    %get3A_2 = vector.load %arg3[%get3A, %get3A_0, %get3A_1] : memref<2x1000x16xf32, #tpu.memory_space<vmem>>, vector<1x1000x16xf32>
    %get3A_3 = vector.shape_cast %get3A_2 : vector<1x1000x16xf32> to vector<1000x16xf32>
    %reduce_max3A = arith.constant dense<0xFF800000> : vector<1000xf32>
    %reduce_max3A_4 = vector.multi_reduction <maximumf>, %get3A_3, %reduce_max3A [1] : vector<1000x16xf32> to vector<1000xf32>
    %get3A_5 = arith.constant 1 : index
    %get3A_6 = arith.constant 0 : index
    %get3A_7 = arith.constant 0 : index
    %get3A_8 = vector.load %arg3[%get3A_5, %get3A_6, %get3A_7] : memref<2x1000x16xf32, #tpu.memory_space<vmem>>, vector<1x1000x16xf32>
    %get3A_9 = vector.shape_cast %get3A_8 : vector<1x1000x16xf32> to vector<1000x16xf32>
    %reduce_max3A_10 = arith.constant dense<0xFF800000> : vector<1000xf32>
    %reduce_max3A_11 = vector.multi_reduction <maximumf>, %get3A_9, %reduce_max3A_10 [1] : vector<1000x16xf32> to vector<1000xf32>
    %add3A = arith.addf %reduce_max3A_4, %reduce_max3A_11 : vector<1000xf32>
    %sub3A = arith.constant 1.000000e+00 : f32
    %sub3A_12 = vector.broadcast %sub3A : f32 to vector<1000xf32>
    %sub3A_13 = arith.subf %add3A, %sub3A_12 : vector<1000xf32>
    %rsqrt3A = math.rsqrt %sub3A_13 : vector<1000xf32>
    %get3A_14 = arith.constant 0 : index
    %get3A_15 = arith.constant 0 : index
    %get3A_16 = arith.constant 0 : index
    %get3A_17 = vector.load %arg1[%get3A_14, %get3A_15, %get3A_16] : memref<2x1000x128xf32, #tpu.memory_space<vmem>>, vector<1x1000x128xf32>
    %get3A_18 = vector.shape_cast %get3A_17 : vector<1x1000x128xf32> to vector<1000x128xf32>
    %get3A_19 = arith.constant 1 : index
    %get3A_20 = arith.constant 0 : index
    %get3A_21 = arith.constant 0 : index
    %get3A_22 = vector.load %arg1[%get3A_19, %get3A_20, %get3A_21] : memref<2x1000x128xf32, #tpu.memory_space<vmem>>, vector<1x1000x128xf32>
    %get3A_23 = vector.shape_cast %get3A_22 : vector<1x1000x128xf32> to vector<1000x128xf32>
    %add3A_24 = arith.addf %get3A_18, %get3A_23 : vector<1000x128xf32>
    %get3A_25 = arith.constant 0 : index
    %get3A_26 = arith.constant 0 : index
    %get3A_27 = vector.load %arg2[%get3A_25, %get3A_26] : memref<1000x128xf32, #tpu.memory_space<vmem>>, vector<1000x128xf32>
    %sub3A_28 = arith.subf %add3A_24, %get3A_27 : vector<1000x128xf32>
    %broadcast_in_dim3A = vector.shape_cast %rsqrt3A : vector<1000xf32> to vector<1000x1xf32>
    %mul3A = vector.broadcast %broadcast_in_dim3A : vector<1000x1xf32> to vector<1000x128xf32>
    %mul3A_29 = arith.mulf %sub3A_28, %mul3A : vector<1000x128xf32>
    %get3A_30 = arith.constant 0 : index
    %get3A_31 = arith.constant 0 : index
    %get3A_32 = vector.load %arg4[%get3A_30, %get3A_31] : memref<1x128xf32, #tpu.memory_space<vmem>>, vector<1x128xf32>
    %add3A_33 = vector.broadcast %get3A_32 : vector<1x128xf32> to vector<1000x128xf32>
    %add3A_34 = arith.addf %mul3A_29, %add3A_33 : vector<1000x128xf32>
    %max3A = arith.constant 0.000000e+00 : f32
    %max3A_35 = vector.broadcast %max3A : f32 to vector<1000x128xf32>
    %max3A_36 = arith.maximumf %add3A_34, %max3A_35 : vector<1000x128xf32>
    %get3A_37 = arith.constant 0 : index
    %get3A_38 = arith.constant 0 : index
    %get3A_39 = vector.load %arg5[%get3A_37, %get3A_38] : memref<128x128xf32, #tpu.memory_space<vmem>>, vector<128x128xf32>
    %dot_general3A = arith.constant dense<0.000000e+00> : vector<1000x128xf32>
    %dot_general3A_40 = tpu.matmul %max3A_36, %get3A_39, %dot_general3A {dimension_numbers = #tpu.dot_dimension_numbers<[1], [0], [0], [1], [0, 0, 1, 1], [], []>, transpose_lhs_hint = false} : vector<1000x128xf32>, vector<128x128xf32>, vector<1000x128xf32> -> vector<1000x128xf32>
    %broadcast_in_dim3A_41 = vector.shape_cast %rsqrt3A : vector<1000xf32> to vector<1000x1xf32>
    %mul3A_42 = vector.broadcast %broadcast_in_dim3A_41 : vector<1000x1xf32> to vector<1000x128xf32>
    %mul3A_43 = arith.mulf %dot_general3A_40, %mul3A_42 : vector<1000x128xf32>
    %swap3A = arith.constant 0 : index
    %swap3A_44 = arith.constant 0 : index
    %swap3A_45 = vector.load %arg6[%swap3A, %swap3A_44] : memref<1000x128xf32, #tpu.memory_space<vmem>>, vector<1000x128xf32>
    tpu.vector_store %arg6[%swap3A, %swap3A_44], %mul3A_43 {strides = array<i32>} : memref<1000x128xf32, #tpu.memory_space<vmem>>, vector<1000x128xf32>,
    return
  }
  func.func @transform_0(%arg0: i32) -> (i32, i32, i32) {
    %c0_i32 = arith.constant 0 : i32
    %c0_i32_0 = arith.constant 0 : i32
    %c0_i32_1 = arith.constant 0 : i32
    return %c0_i32, %arg0, %c0_i32_0 : i32, i32, i32
  }
  func.func @transform_1(%arg0: i32) -> (i32, i32) {
    %c0_i32 = arith.constant 0 : i32
    %c0_i32_0 = arith.constant 0 : i32
    return %arg0, %c0_i32 : i32, i32
  }
  func.func @transform_2(%arg0: i32) -> (i32, i32, i32) {
    %c0_i32 = arith.constant 0 : i32
    %c0_i32_0 = arith.constant 0 : i32
    %c0_i32_1 = arith.constant 0 : i32
    return %c0_i32, %arg0, %c0_i32_0 : i32, i32, i32
  }
  func.func @transform_3(%arg0: i32) -> (i32, i32) {
    %c0_i32 = arith.constant 0 : i32
    %c0_i32_0 = arith.constant 0 : i32
    %c0_i32_1 = arith.constant 0 : i32
    return %c0_i32, %c0_i32_0 : i32, i32
  }
  func.func @transform_4(%arg0: i32) -> (i32, i32) {
    %c0_i32 = arith.constant 0 : i32
    %c0_i32_0 = arith.constant 0 : i32
    %c0_i32_1 = arith.constant 0 : i32
    return %c0_i32, %c0_i32_0 : i32, i32
  }
  func.func @transform_5(%arg0: i32) -> (i32, i32) {
    %c0_i32 = arith.constant 0 : i32
    %c0_i32_0 = arith.constant 0 : i32
    return %arg0, %c0_i32 : i32, i32
  }
}

module attributes {stable_mosaic.version = 14 : i64} {
  func.func @_tc34_body(%arg0: i32, %arg1: memref<2x1000x128xf32, #tpu.memory_space<vmem>>, %arg2: memref<1000x128xf32, #tpu.memory_space<vmem>>, %arg3: memref<2x1000x16xf32, #tpu.memory_space<vmem>>, %arg4: memref<1x128xf32, #tpu.memory_space<vmem>>, %arg5: memref<128x1xf32, #tpu.memory_space<vmem>>, %arg6: memref<1x1xf32, #tpu.memory_space<vmem>>, %arg7: memref<128x4xf32, #tpu.memory_space<vmem>>, %arg8: memref<1x4xf32, #tpu.memory_space<vmem>>, %arg9: memref<128x3xf32, #tpu.memory_space<vmem>>, %arg10: memref<1x3xf32, #tpu.memory_space<vmem>>, %arg11: memref<128x8xf32, #tpu.memory_space<vmem>>, %arg12: memref<1x8xf32, #tpu.memory_space<vmem>>, %arg13: memref<128x10000xf32, #tpu.memory_space<vmem>>, %arg14: memref<1x10000xf32, #tpu.memory_space<vmem>>, %arg15: memref<128x10000xf32, #tpu.memory_space<vmem>>, %arg16: memref<1x10000xf32, #tpu.memory_space<vmem>>, %arg17: memref<128x10000xf32, #tpu.memory_space<vmem>>, %arg18: memref<1x10000xf32, #tpu.memory_space<vmem>>, %arg19: memref<1x1xf32, #tpu.memory_space<vmem>>, %arg20: memref<1x4xf32, #tpu.memory_space<vmem>>, %arg21: memref<1x3xf32, #tpu.memory_space<vmem>>, %arg22: memref<1x10000xf32, #tpu.memory_space<vmem>>, %arg23: memref<1x10000xf32, #tpu.memory_space<vmem>>, %arg24: memref<1x10000xf32, #tpu.memory_space<vmem>>, %arg25: memref<1x8xf32, #tpu.memory_space<vmem>>) attributes {dimension_semantics = [#tpu.dimension_semantics<arbitrary>], iteration_bounds = array<i64: 10>, scalar_prefetch = 0 : i64, scratch_operands = 0 : i64, tpu.core_type = #tpu.core_type<tc>, window_params = [{transform_indices = @transform_0, window_bounds = array<i64: 2, 1000, 128>}, {transform_indices = @transform_1, window_bounds = array<i64: 1000, 128>}, {transform_indices = @transform_2, window_bounds = array<i64: 2, 1000, 16>}, {pipeline_mode = #tpu.pipeline_mode<synchronous>, transform_indices = @transform_3, window_bounds = array<i64: 1, 128>}, {pipeline_mode = #tpu.pipeline_mode<synchronous>, transform_indices = @transform_4, window_bounds = array<i64: 128, 1>}, {pipeline_mode = #tpu.pipeline_mode<synchronous>, transform_indices = @transform_5, window_bounds = array<i64: 1, 1>}, {pipeline_mode = #tpu.pipeline_mode<synchronous>, transform_indices = @transform_6, window_bounds = array<i64: 128, 4>}, {pipeline_mode = #tpu.pipeline_mode<synchronous>, transform_indices = @transform_7, window_bounds = array<i64: 1, 4>}, {pipeline_mode = #tpu.pipeline_mode<synchronous>, transform_indices = @transform_8, window_bounds = array<i64: 128, 3>}, {pipeline_mode = #tpu.pipeline_mode<synchronous>, transform_indices = @transform_9, window_bounds = array<i64: 1, 3>}, {pipeline_mode = #tpu.pipeline_mode<synchronous>, transform_indices = @transform_10, window_bounds = array<i64: 128, 8>}, {pipeline_mode = #tpu.pipeline_mode<synchronous>, transform_indices = @transform_11, window_bounds = array<i64: 1, 8>}, {pipeline_mode = #tpu.pipeline_mode<synchronous>, transform_indices = @transform_12, window_bounds = array<i64: 128, 10000>}, {pipeline_mode = #tpu.pipeline_mode<synchronous>, transform_indices = @transform_13, window_bounds = array<i64: 1, 10000>}, {pipeline_mode = #tpu.pipeline_mode<synchronous>, transform_indices = @transform_14, window_bounds = array<i64: 128, 10000>}, {pipeline_mode = #tpu.pipeline_mode<synchronous>, transform_indices = @transform_15, window_bounds = array<i64: 1, 10000>}, {pipeline_mode = #tpu.pipeline_mode<synchronous>, transform_indices = @transform_16, window_bounds = array<i64: 128, 10000>}, {pipeline_mode = #tpu.pipeline_mode<synchronous>, transform_indices = @transform_17, window_bounds = array<i64: 1, 10000>}, {pipeline_mode = #tpu.pipeline_mode<synchronous>, transform_indices = @transform_18, window_bounds = array<i64: 1, 1>}, {pipeline_mode = #tpu.pipeline_mode<synchronous>, transform_indices = @transform_19, window_bounds = array<i64: 1, 4>}, {pipeline_mode = #tpu.pipeline_mode<synchronous>, transform_indices = @transform_20, window_bounds = array<i64: 1, 3>}, {pipeline_mode = #tpu.pipeline_mode<synchronous>, transform_indices = @transform_21, window_bounds = array<i64: 1, 10000>}, {pipeline_mode = #tpu.pipeline_mode<synchronous>, transform_indices = @transform_22, window_bounds = array<i64: 1, 10000>}, {pipeline_mode = #tpu.pipeline_mode<synchronous>, transform_indices = @transform_23, window_bounds = array<i64: 1, 10000>}, {pipeline_mode = #tpu.pipeline_mode<synchronous>, transform_indices = @transform_24, window_bounds = array<i64: 1, 8>}]} {
    %get3A = arith.constant 0 : index
    %get3A_0 = arith.constant 0 : index
    %get3A_1 = arith.constant 0 : index
    %get3A_2 = vector.load %arg3[%get3A, %get3A_0, %get3A_1] : memref<2x1000x16xf32, #tpu.memory_space<vmem>>, vector<1x1000x16xf32>
    %get3A_3 = vector.shape_cast %get3A_2 : vector<1x1000x16xf32> to vector<1000x16xf32>
    %reduce_max3A = arith.constant dense<0xFF800000> : vector<1000xf32>
    %reduce_max3A_4 = vector.multi_reduction <maximumf>, %get3A_3, %reduce_max3A [1] : vector<1000x16xf32> to vector<1000xf32>
    %get3A_5 = arith.constant 1 : index
    %get3A_6 = arith.constant 0 : index
    %get3A_7 = arith.constant 0 : index
    %get3A_8 = vector.load %arg3[%get3A_5, %get3A_6, %get3A_7] : memref<2x1000x16xf32, #tpu.memory_space<vmem>>, vector<1x1000x16xf32>
    %get3A_9 = vector.shape_cast %get3A_8 : vector<1x1000x16xf32> to vector<1000x16xf32>
    %reduce_max3A_10 = arith.constant dense<0xFF800000> : vector<1000xf32>
    %reduce_max3A_11 = vector.multi_reduction <maximumf>, %get3A_9, %reduce_max3A_10 [1] : vector<1000x16xf32> to vector<1000xf32>
    %add3A = arith.addf %reduce_max3A_4, %reduce_max3A_11 : vector<1000xf32>
    %sub3A = arith.constant 1.000000e+00 : f32
    %sub3A_12 = vector.broadcast %sub3A : f32 to vector<1000xf32>
    %sub3A_13 = arith.subf %add3A, %sub3A_12 : vector<1000xf32>
    %rsqrt3A = math.rsqrt %sub3A_13 : vector<1000xf32>
    %get3A_14 = arith.constant 0 : index
    %get3A_15 = arith.constant 0 : index
    %get3A_16 = arith.constant 0 : index
    %get3A_17 = vector.load %arg1[%get3A_14, %get3A_15, %get3A_16] : memref<2x1000x128xf32, #tpu.memory_space<vmem>>, vector<1x1000x128xf32>
    %get3A_18 = vector.shape_cast %get3A_17 : vector<1x1000x128xf32> to vector<1000x128xf32>
    %get3A_19 = arith.constant 1 : index
    %get3A_20 = arith.constant 0 : index
    %get3A_21 = arith.constant 0 : index
    %get3A_22 = vector.load %arg1[%get3A_19, %get3A_20, %get3A_21] : memref<2x1000x128xf32, #tpu.memory_space<vmem>>, vector<1x1000x128xf32>
    %get3A_23 = vector.shape_cast %get3A_22 : vector<1x1000x128xf32> to vector<1000x128xf32>
    %add3A_24 = arith.addf %get3A_18, %get3A_23 : vector<1000x128xf32>
    %get3A_25 = arith.constant 0 : index
    %get3A_26 = arith.constant 0 : index
    %get3A_27 = vector.load %arg2[%get3A_25, %get3A_26] : memref<1000x128xf32, #tpu.memory_space<vmem>>, vector<1000x128xf32>
    %sub3A_28 = arith.subf %add3A_24, %get3A_27 : vector<1000x128xf32>
    %broadcast_in_dim3A = vector.shape_cast %rsqrt3A : vector<1000xf32> to vector<1000x1xf32>
    %mul3A = vector.broadcast %broadcast_in_dim3A : vector<1000x1xf32> to vector<1000x128xf32>
    %mul3A_29 = arith.mulf %sub3A_28, %mul3A : vector<1000x128xf32>
    %get3A_30 = arith.constant 0 : index
    %get3A_31 = arith.constant 0 : index
    %get3A_32 = vector.load %arg4[%get3A_30, %get3A_31] : memref<1x128xf32, #tpu.memory_space<vmem>>, vector<1x128xf32>
    %add3A_33 = vector.broadcast %get3A_32 : vector<1x128xf32> to vector<1000x128xf32>
    %add3A_34 = arith.addf %mul3A_29, %add3A_33 : vector<1000x128xf32>
    %max3A = arith.constant 0.000000e+00 : f32
    %max3A_35 = vector.broadcast %max3A : f32 to vector<1000x128xf32>
    %max3A_36 = arith.maximumf %add3A_34, %max3A_35 : vector<1000x128xf32>
    %reduce_sum3A = arith.constant dense<0.000000e+00> : vector<128xf32>
    %reduce_sum3A_37 = vector.multi_reduction <add>, %max3A_36, %reduce_sum3A [0] : vector<1000x128xf32> to vector<128xf32>
    %broadcast_in_dim3A_38 = vector.shape_cast %reduce_sum3A_37 : vector<128xf32> to vector<1x128xf32>
    %mul3A_39 = arith.constant 9.99999974E-5 : f32
    %mul3A_40 = vector.broadcast %mul3A_39 : f32 to vector<1x128xf32>
    %mul3A_41 = arith.mulf %broadcast_in_dim3A_38, %mul3A_40 : vector<1x128xf32>
    %eq3A = arith.constant 0 : i32
    %eq3A_42 = arith.cmpi eq, %arg0, %eq3A : i32
    %convert_element_type3A = arith.extui %eq3A_42 : i1 to i32
    %cond3A = arith.constant 0 : i32
    %cond3A_43 = arith.cmpi ne, %convert_element_type3A, %cond3A : i32
    scf.if %cond3A_43 {
      %get3A_126 = arith.constant 0 : index
      %get3A_127 = arith.constant 0 : index
      %get3A_128 = vector.load %arg6[%get3A_126, %get3A_127] : memref<1x1xf32, #tpu.memory_space<vmem>>, vector<1x1xf32>
      %swap3A_129 = arith.constant 0 : index
      %swap3A_130 = arith.constant 0 : index
      %swap3A_131 = vector.load %arg19[%swap3A_129, %swap3A_130] : memref<1x1xf32, #tpu.memory_space<vmem>>, vector<1x1xf32>
      tpu.vector_store %arg19[%swap3A_129, %swap3A_130], %get3A_128 {strides = array<i32>} : memref<1x1xf32, #tpu.memory_space<vmem>>, vector<1x1xf32>,
      %get3A_132 = arith.constant 0 : index
      %get3A_133 = arith.constant 0 : index
      %get3A_134 = vector.load %arg8[%get3A_132, %get3A_133] : memref<1x4xf32, #tpu.memory_space<vmem>>, vector<1x4xf32>
      %swap3A_135 = arith.constant 0 : index
      %swap3A_136 = arith.constant 0 : index
      %swap3A_137 = vector.load %arg20[%swap3A_135, %swap3A_136] : memref<1x4xf32, #tpu.memory_space<vmem>>, vector<1x4xf32>
      tpu.vector_store %arg20[%swap3A_135, %swap3A_136], %get3A_134 {strides = array<i32>} : memref<1x4xf32, #tpu.memory_space<vmem>>, vector<1x4xf32>,
      %get3A_138 = arith.constant 0 : index
      %get3A_139 = arith.constant 0 : index
      %get3A_140 = vector.load %arg10[%get3A_138, %get3A_139] : memref<1x3xf32, #tpu.memory_space<vmem>>, vector<1x3xf32>
      %swap3A_141 = arith.constant 0 : index
      %swap3A_142 = arith.constant 0 : index
      %swap3A_143 = vector.load %arg21[%swap3A_141, %swap3A_142] : memref<1x3xf32, #tpu.memory_space<vmem>>, vector<1x3xf32>
      tpu.vector_store %arg21[%swap3A_141, %swap3A_142], %get3A_140 {strides = array<i32>} : memref<1x3xf32, #tpu.memory_space<vmem>>, vector<1x3xf32>,
      %get3A_144 = arith.constant 0 : index
      %get3A_145 = arith.constant 0 : index
      %get3A_146 = vector.load %arg12[%get3A_144, %get3A_145] : memref<1x8xf32, #tpu.memory_space<vmem>>, vector<1x8xf32>
      %swap3A_147 = arith.constant 0 : index
      %swap3A_148 = arith.constant 0 : index
      %swap3A_149 = vector.load %arg25[%swap3A_147, %swap3A_148] : memref<1x8xf32, #tpu.memory_space<vmem>>, vector<1x8xf32>
      tpu.vector_store %arg25[%swap3A_147, %swap3A_148], %get3A_146 {strides = array<i32>} : memref<1x8xf32, #tpu.memory_space<vmem>>, vector<1x8xf32>,
      %get3A_150 = arith.constant 0 : index
      %get3A_151 = arith.constant 0 : index
      %get3A_152 = vector.load %arg14[%get3A_150, %get3A_151] : memref<1x10000xf32, #tpu.memory_space<vmem>>, vector<1x10000xf32>
      %swap3A_153 = arith.constant 0 : index
      %swap3A_154 = arith.constant 0 : index
      %swap3A_155 = vector.load %arg22[%swap3A_153, %swap3A_154] : memref<1x10000xf32, #tpu.memory_space<vmem>>, vector<1x10000xf32>
      tpu.vector_store %arg22[%swap3A_153, %swap3A_154], %get3A_152 {strides = array<i32>} : memref<1x10000xf32, #tpu.memory_space<vmem>>, vector<1x10000xf32>,
      %get3A_156 = arith.constant 0 : index
      %get3A_157 = arith.constant 0 : index
      %get3A_158 = vector.load %arg16[%get3A_156, %get3A_157] : memref<1x10000xf32, #tpu.memory_space<vmem>>, vector<1x10000xf32>
      %swap3A_159 = arith.constant 0 : index
      %swap3A_160 = arith.constant 0 : index
      %swap3A_161 = vector.load %arg23[%swap3A_159, %swap3A_160] : memref<1x10000xf32, #tpu.memory_space<vmem>>, vector<1x10000xf32>
      tpu.vector_store %arg23[%swap3A_159, %swap3A_160], %get3A_158 {strides = array<i32>} : memref<1x10000xf32, #tpu.memory_space<vmem>>, vector<1x10000xf32>,
      %get3A_162 = arith.constant 0 : index
      %get3A_163 = arith.constant 0 : index
      %get3A_164 = vector.load %arg18[%get3A_162, %get3A_163] : memref<1x10000xf32, #tpu.memory_space<vmem>>, vector<1x10000xf32>
      %swap3A_165 = arith.constant 0 : index
      %swap3A_166 = arith.constant 0 : index
      %swap3A_167 = vector.load %arg24[%swap3A_165, %swap3A_166] : memref<1x10000xf32, #tpu.memory_space<vmem>>, vector<1x10000xf32>
      tpu.vector_store %arg24[%swap3A_165, %swap3A_166], %get3A_164 {strides = array<i32>} : memref<1x10000xf32, #tpu.memory_space<vmem>>, vector<1x10000xf32>,
    } else {
    }
    %get3A_44 = arith.constant 0 : index
    %get3A_45 = arith.constant 0 : index
    %get3A_46 = vector.load %arg19[%get3A_44, %get3A_45] : memref<1x1xf32, #tpu.memory_space<vmem>>, vector<1x1xf32>
    %get3A_47 = arith.constant 0 : index
    %get3A_48 = arith.constant 0 : index
    %get3A_49 = vector.load %arg5[%get3A_47, %get3A_48] : memref<128x1xf32, #tpu.memory_space<vmem>>, vector<128x1xf32>
    %dot_general3A = arith.constant dense<0.000000e+00> : vector<1x1xf32>
    %dot_general3A_50 = tpu.matmul %mul3A_41, %get3A_49, %dot_general3A {dimension_numbers = #tpu.dot_dimension_numbers<[1], [0], [0], [1], [0, 0, 1, 1], [], []>, transpose_lhs_hint = false} : vector<1x128xf32>, vector<128x1xf32>, vector<1x1xf32> -> vector<1x1xf32>
    %add3A_51 = arith.addf %get3A_46, %dot_general3A_50 : vector<1x1xf32>
    %swap3A = arith.constant 0 : index
    %swap3A_52 = arith.constant 0 : index
    %swap3A_53 = vector.load %arg19[%swap3A, %swap3A_52] : memref<1x1xf32, #tpu.memory_space<vmem>>, vector<1x1xf32>
    tpu.vector_store %arg19[%swap3A, %swap3A_52], %add3A_51 {strides = array<i32>} : memref<1x1xf32, #tpu.memory_space<vmem>>, vector<1x1xf32>,
    %get3A_54 = arith.constant 0 : index
    %get3A_55 = arith.constant 0 : index
    %get3A_56 = vector.load %arg20[%get3A_54, %get3A_55] : memref<1x4xf32, #tpu.memory_space<vmem>>, vector<1x4xf32>
    %get3A_57 = arith.constant 0 : index
    %get3A_58 = arith.constant 0 : index
    %get3A_59 = vector.load %arg7[%get3A_57, %get3A_58] : memref<128x4xf32, #tpu.memory_space<vmem>>, vector<128x4xf32>
    %dot_general3A_60 = arith.constant dense<0.000000e+00> : vector<1x4xf32>
    %dot_general3A_61 = tpu.matmul %mul3A_41, %get3A_59, %dot_general3A_60 {dimension_numbers = #tpu.dot_dimension_numbers<[1], [0], [0], [1], [0, 0, 1, 1], [], []>, transpose_lhs_hint = false} : vector<1x128xf32>, vector<128x4xf32>, vector<1x4xf32> -> vector<1x4xf32>
    %add3A_62 = arith.addf %get3A_56, %dot_general3A_61 : vector<1x4xf32>
    %swap3A_63 = arith.constant 0 : index
    %swap3A_64 = arith.constant 0 : index
    %swap3A_65 = vector.load %arg20[%swap3A_63, %swap3A_64] : memref<1x4xf32, #tpu.memory_space<vmem>>, vector<1x4xf32>
    tpu.vector_store %arg20[%swap3A_63, %swap3A_64], %add3A_62 {strides = array<i32>} : memref<1x4xf32, #tpu.memory_space<vmem>>, vector<1x4xf32>,
    %get3A_66 = arith.constant 0 : index
    %get3A_67 = arith.constant 0 : index
    %get3A_68 = vector.load %arg21[%get3A_66, %get3A_67] : memref<1x3xf32, #tpu.memory_space<vmem>>, vector<1x3xf32>
    %get3A_69 = arith.constant 0 : index
    %get3A_70 = arith.constant 0 : index
    %get3A_71 = vector.load %arg9[%get3A_69, %get3A_70] : memref<128x3xf32, #tpu.memory_space<vmem>>, vector<128x3xf32>
    %dot_general3A_72 = arith.constant dense<0.000000e+00> : vector<1x3xf32>
    %dot_general3A_73 = tpu.matmul %mul3A_41, %get3A_71, %dot_general3A_72 {dimension_numbers = #tpu.dot_dimension_numbers<[1], [0], [0], [1], [0, 0, 1, 1], [], []>, transpose_lhs_hint = false} : vector<1x128xf32>, vector<128x3xf32>, vector<1x3xf32> -> vector<1x3xf32>
    %add3A_74 = arith.addf %get3A_68, %dot_general3A_73 : vector<1x3xf32>
    %swap3A_75 = arith.constant 0 : index
    %swap3A_76 = arith.constant 0 : index
    %swap3A_77 = vector.load %arg21[%swap3A_75, %swap3A_76] : memref<1x3xf32, #tpu.memory_space<vmem>>, vector<1x3xf32>
    tpu.vector_store %arg21[%swap3A_75, %swap3A_76], %add3A_74 {strides = array<i32>} : memref<1x3xf32, #tpu.memory_space<vmem>>, vector<1x3xf32>,
    %get3A_78 = arith.constant 0 : index
    %get3A_79 = arith.constant 0 : index
    %get3A_80 = vector.load %arg25[%get3A_78, %get3A_79] : memref<1x8xf32, #tpu.memory_space<vmem>>, vector<1x8xf32>
    %get3A_81 = arith.constant 0 : index
    %get3A_82 = arith.constant 0 : index
    %get3A_83 = vector.load %arg11[%get3A_81, %get3A_82] : memref<128x8xf32, #tpu.memory_space<vmem>>, vector<128x8xf32>
    %dot_general3A_84 = arith.constant dense<0.000000e+00> : vector<1x8xf32>
    %dot_general3A_85 = tpu.matmul %mul3A_41, %get3A_83, %dot_general3A_84 {dimension_numbers = #tpu.dot_dimension_numbers<[1], [0], [0], [1], [0, 0, 1, 1], [], []>, transpose_lhs_hint = false} : vector<1x128xf32>, vector<128x8xf32>, vector<1x8xf32> -> vector<1x8xf32>
    %add3A_86 = arith.addf %get3A_80, %dot_general3A_85 : vector<1x8xf32>
    %swap3A_87 = arith.constant 0 : index
    %swap3A_88 = arith.constant 0 : index
    %swap3A_89 = vector.load %arg25[%swap3A_87, %swap3A_88] : memref<1x8xf32, #tpu.memory_space<vmem>>, vector<1x8xf32>
    tpu.vector_store %arg25[%swap3A_87, %swap3A_88], %add3A_86 {strides = array<i32>} : memref<1x8xf32, #tpu.memory_space<vmem>>, vector<1x8xf32>,
    %get3A_90 = arith.constant 0 : index
    %get3A_91 = arith.constant 0 : index
    %get3A_92 = vector.load %arg22[%get3A_90, %get3A_91] : memref<1x10000xf32, #tpu.memory_space<vmem>>, vector<1x10000xf32>
    %get3A_93 = arith.constant 0 : index
    %get3A_94 = arith.constant 0 : index
    %get3A_95 = vector.load %arg13[%get3A_93, %get3A_94] : memref<128x10000xf32, #tpu.memory_space<vmem>>, vector<128x10000xf32>
    %dot_general3A_96 = arith.constant dense<0.000000e+00> : vector<1x10000xf32>
    %dot_general3A_97 = tpu.matmul %mul3A_41, %get3A_95, %dot_general3A_96 {dimension_numbers = #tpu.dot_dimension_numbers<[1], [0], [0], [1], [0, 0, 1, 1], [], []>, transpose_lhs_hint = false} : vector<1x128xf32>, vector<128x10000xf32>, vector<1x10000xf32> -> vector<1x10000xf32>
    %add3A_98 = arith.addf %get3A_92, %dot_general3A_97 : vector<1x10000xf32>
    %swap3A_99 = arith.constant 0 : index
    %swap3A_100 = arith.constant 0 : index
    %swap3A_101 = vector.load %arg22[%swap3A_99, %swap3A_100] : memref<1x10000xf32, #tpu.memory_space<vmem>>, vector<1x10000xf32>
    tpu.vector_store %arg22[%swap3A_99, %swap3A_100], %add3A_98 {strides = array<i32>} : memref<1x10000xf32, #tpu.memory_space<vmem>>, vector<1x10000xf32>,
    %get3A_102 = arith.constant 0 : index
    %get3A_103 = arith.constant 0 : index
    %get3A_104 = vector.load %arg23[%get3A_102, %get3A_103] : memref<1x10000xf32, #tpu.memory_space<vmem>>, vector<1x10000xf32>
    %get3A_105 = arith.constant 0 : index
    %get3A_106 = arith.constant 0 : index
    %get3A_107 = vector.load %arg15[%get3A_105, %get3A_106] : memref<128x10000xf32, #tpu.memory_space<vmem>>, vector<128x10000xf32>
    %dot_general3A_108 = arith.constant dense<0.000000e+00> : vector<1x10000xf32>
    %dot_general3A_109 = tpu.matmul %mul3A_41, %get3A_107, %dot_general3A_108 {dimension_numbers = #tpu.dot_dimension_numbers<[1], [0], [0], [1], [0, 0, 1, 1], [], []>, transpose_lhs_hint = false} : vector<1x128xf32>, vector<128x10000xf32>, vector<1x10000xf32> -> vector<1x10000xf32>
    %add3A_110 = arith.addf %get3A_104, %dot_general3A_109 : vector<1x10000xf32>
    %swap3A_111 = arith.constant 0 : index
    %swap3A_112 = arith.constant 0 : index
    %swap3A_113 = vector.load %arg23[%swap3A_111, %swap3A_112] : memref<1x10000xf32, #tpu.memory_space<vmem>>, vector<1x10000xf32>
    tpu.vector_store %arg23[%swap3A_111, %swap3A_112], %add3A_110 {strides = array<i32>} : memref<1x10000xf32, #tpu.memory_space<vmem>>, vector<1x10000xf32>,
    %get3A_114 = arith.constant 0 : index
    %get3A_115 = arith.constant 0 : index
    %get3A_116 = vector.load %arg24[%get3A_114, %get3A_115] : memref<1x10000xf32, #tpu.memory_space<vmem>>, vector<1x10000xf32>
    %get3A_117 = arith.constant 0 : index
    %get3A_118 = arith.constant 0 : index
    %get3A_119 = vector.load %arg17[%get3A_117, %get3A_118] : memref<128x10000xf32, #tpu.memory_space<vmem>>, vector<128x10000xf32>
    %dot_general3A_120 = arith.constant dense<0.000000e+00> : vector<1x10000xf32>
    %dot_general3A_121 = tpu.matmul %mul3A_41, %get3A_119, %dot_general3A_120 {dimension_numbers = #tpu.dot_dimension_numbers<[1], [0], [0], [1], [0, 0, 1, 1], [], []>, transpose_lhs_hint = false} : vector<1x128xf32>, vector<128x10000xf32>, vector<1x10000xf32> -> vector<1x10000xf32>
    %add3A_122 = arith.addf %get3A_116, %dot_general3A_121 : vector<1x10000xf32>
    %swap3A_123 = arith.constant 0 : index
    %swap3A_124 = arith.constant 0 : index
    %swap3A_125 = vector.load %arg24[%swap3A_123, %swap3A_124] : memref<1x10000xf32, #tpu.memory_space<vmem>>, vector<1x10000xf32>
    tpu.vector_store %arg24[%swap3A_123, %swap3A_124], %add3A_122 {strides = array<i32>} : memref<1x10000xf32, #tpu.memory_space<vmem>>, vector<1x10000xf32>,
    return
  }
  func.func @transform_0(%arg0: i32) -> (i32, i32, i32) {
    %c0_i32 = arith.constant 0 : i32
    %c0_i32_0 = arith.constant 0 : i32
    %c0_i32_1 = arith.constant 0 : i32
    return %c0_i32, %arg0, %c0_i32_0 : i32, i32, i32
  }
  func.func @transform_1(%arg0: i32) -> (i32, i32) {
    %c0_i32 = arith.constant 0 : i32
    %c0_i32_0 = arith.constant 0 : i32
    return %arg0, %c0_i32 : i32, i32
  }
  func.func @transform_2(%arg0: i32) -> (i32, i32, i32) {
    %c0_i32 = arith.constant 0 : i32
    %c0_i32_0 = arith.constant 0 : i32
    %c0_i32_1 = arith.constant 0 : i32
    return %c0_i32, %arg0, %c0_i32_0 : i32, i32, i32
  }
  func.func @transform_3(%arg0: i32) -> (i32, i32) {
    %c0_i32 = arith.constant 0 : i32
    %c0_i32_0 = arith.constant 0 : i32
    %c0_i32_1 = arith.constant 0 : i32
    return %c0_i32, %c0_i32_0 : i32, i32
  }
  func.func @transform_4(%arg0: i32) -> (i32, i32) {
    %c0_i32 = arith.constant 0 : i32
    %c0_i32_0 = arith.constant 0 : i32
    %c0_i32_1 = arith.constant 0 : i32
    return %c0_i32, %c0_i32_0 : i32, i32
  }
  func.func @transform_5(%arg0: i32) -> (i32, i32) {
    %c0_i32 = arith.constant 0 : i32
    %c0_i32_0 = arith.constant 0 : i32
    %c0_i32_1 = arith.constant 0 : i32
    return %c0_i32, %c0_i32_0 : i32, i32
  }
  func.func @transform_6(%arg0: i32) -> (i32, i32) {
    %c0_i32 = arith.constant 0 : i32
    %c0_i32_0 = arith.constant 0 : i32
    %c0_i32_1 = arith.constant 0 : i32
    return %c0_i32, %c0_i32_0 : i32, i32
  }
  func.func @transform_7(%arg0: i32) -> (i32, i32) {
    %c0_i32 = arith.constant 0 : i32
    %c0_i32_0 = arith.constant 0 : i32
    %c0_i32_1 = arith.constant 0 : i32
    return %c0_i32, %c0_i32_0 : i32, i32
  }
  func.func @transform_8(%arg0: i32) -> (i32, i32) {
    %c0_i32 = arith.constant 0 : i32
    %c0_i32_0 = arith.constant 0 : i32
    %c0_i32_1 = arith.constant 0 : i32
    return %c0_i32, %c0_i32_0 : i32, i32
  }
  func.func @transform_9(%arg0: i32) -> (i32, i32) {
    %c0_i32 = arith.constant 0 : i32
    %c0_i32_0 = arith.constant 0 : i32
    %c0_i32_1 = arith.constant 0 : i32
    return %c0_i32, %c0_i32_0 : i32, i32
  }
  func.func @transform_10(%arg0: i32) -> (i32, i32) {
    %c0_i32 = arith.constant 0 : i32
    %c0_i32_0 = arith.constant 0 : i32
    %c0_i32_1 = arith.constant 0 : i32
    return %c0_i32, %c0_i32_0 : i32, i32
  }
  func.func @transform_11(%arg0: i32) -> (i32, i32) {
    %c0_i32 = arith.constant 0 : i32
    %c0_i32_0 = arith.constant 0 : i32
    %c0_i32_1 = arith.constant 0 : i32
    return %c0_i32, %c0_i32_0 : i32, i32
  }
  func.func @transform_12(%arg0: i32) -> (i32, i32) {
    %c0_i32 = arith.constant 0 : i32
    %c0_i32_0 = arith.constant 0 : i32
    %c0_i32_1 = arith.constant 0 : i32
    return %c0_i32, %c0_i32_0 : i32, i32
  }
  func.func @transform_13(%arg0: i32) -> (i32, i32) {
    %c0_i32 = arith.constant 0 : i32
    %c0_i32_0 = arith.constant 0 : i32
    %c0_i32_1 = arith.constant 0 : i32
    return %c0_i32, %c0_i32_0 : i32, i32
  }
  func.func @transform_14(%arg0: i32) -> (i32, i32) {
    %c0_i32 = arith.constant 0 : i32
    %c0_i32_0 = arith.constant 0 : i32
    %c0_i32_1 = arith.constant 0 : i32
    return %c0_i32, %c0_i32_0 : i32, i32
  }
  func.func @transform_15(%arg0: i32) -> (i32, i32) {
    %c0_i32 = arith.constant 0 : i32
    %c0_i32_0 = arith.constant 0 : i32
    %c0_i32_1 = arith.constant 0 : i32
    return %c0_i32, %c0_i32_0 : i32, i32
  }
  func.func @transform_16(%arg0: i32) -> (i32, i32) {
    %c0_i32 = arith.constant 0 : i32
    %c0_i32_0 = arith.constant 0 : i32
    %c0_i32_1 = arith.constant 0 : i32
    return %c0_i32, %c0_i32_0 : i32, i32
  }
  func.func @transform_17(%arg0: i32) -> (i32, i32) {
    %c0_i32 = arith.constant 0 : i32
    %c0_i32_0 = arith.constant 0 : i32
    %c0_i32_1 = arith.constant 0 : i32
    return %c0_i32, %c0_i32_0 : i32, i32
  }
  func.func @transform_18(%arg0: i32) -> (i32, i32) {
    %c0_i32 = arith.constant 0 : i32
    %c0_i32_0 = arith.constant 0 : i32
    %c0_i32_1 = arith.constant 0 : i32
    return %c0_i32, %c0_i32_0 : i32, i32
  }
  func.func @transform_19(%arg0: i32) -> (i32, i32) {
    %c0_i32 = arith.constant 0 : i32
    %c0_i32_0 = arith.constant 0 : i32
    %c0_i32_1 = arith.constant 0 : i32
    return %c0_i32, %c0_i32_0 : i32, i32
  }
  func.func @transform_20(%arg0: i32) -> (i32, i32) {
    %c0_i32 = arith.constant 0 : i32
    %c0_i32_0 = arith.constant 0 : i32
    %c0_i32_1 = arith.constant 0 : i32
    return %c0_i32, %c0_i32_0 : i32, i32
  }
  func.func @transform_21(%arg0: i32) -> (i32, i32) {
    %c0_i32 = arith.constant 0 : i32
    %c0_i32_0 = arith.constant 0 : i32
    %c0_i32_1 = arith.constant 0 : i32
    return %c0_i32, %c0_i32_0 : i32, i32
  }
  func.func @transform_22(%arg0: i32) -> (i32, i32) {
    %c0_i32 = arith.constant 0 : i32
    %c0_i32_0 = arith.constant 0 : i32
    %c0_i32_1 = arith.constant 0 : i32
    return %c0_i32, %c0_i32_0 : i32, i32
  }
  func.func @transform_23(%arg0: i32) -> (i32, i32) {
    %c0_i32 = arith.constant 0 : i32
    %c0_i32_0 = arith.constant 0 : i32
    %c0_i32_1 = arith.constant 0 : i32
    return %c0_i32, %c0_i32_0 : i32, i32
  }
  func.func @transform_24(%arg0: i32) -> (i32, i32) {
    %c0_i32 = arith.constant 0 : i32
    %c0_i32_0 = arith.constant 0 : i32
    %c0_i32_1 = arith.constant 0 : i32
    return %c0_i32, %c0_i32_0 : i32, i32
  }
}

</mosaic_0001>

<sc_bundles>
// kernel: kernel.11.cloned.1.call-start
scs
__scs_entry_jumppad:
0x0: {  	(pc) =	sbr.rel $0x88, $3  }
0x1: {  	(tag) =	ssettag $0x0;
	lr =	simm.s32 $0x1  }
0x2: {  	[smem:$0x3F8B] =	sst lr;
	_ =	strace $0xD0000000  }
0x3: {  	_ = 	snop  }
0x4: {  	_ = 	snop  }
0x5: {  	_ = 	snop  }
0x6: {  	_ = 	snop  }
0x7: {  	_ = 	snop  }
__scs_overlays_trampoline_lowered:
0x8: {  	[smem:$0x3F9A] =	sst s0  }
0x9: {  	[smem:$0x3F9B] =	sst s1  }
0xa: {  	[smem:$0x3F9C] =	sst s2  }
0xb: {  	[smem:$0x3F9D] =	sst s3  }
0xc: {  	[smem:$0x3F9E] =	sst s4  }
0xd: {  	[smem:$0x3F9F] =	sst s5  }
0xe: {  	[smem:$0x3FA0] =	sst s6  }
0xf: {  	[smem:$0x3FA1] =	sst s7  }
0x10: {  	[smem:$0x3FA2] =	sst s8  }
0x11: {  	[smem:$0x3FA3] =	sst s9;
	s0 =	simm.s32 @!p0 $0x0  }
0x12: {  	s1 =	sld [smem:$0x3F89];
	s0 =	simm.s32 @p0 $0x1  }
0x13: {  	[smem:$0x3FA4] =	sst s0;
	s0 =	simm.s32 @!p1 $0x0  }
0x14: {  	s2 =	sld [smem:$0x3F88];
	s0 =	simm.s32 @p1 $0x1  }
0x15: {  	[smem:$0x3FA5] =	sst s0;
	s0 =	simm.s32 @!p2 $0x0  }
0x16: {  	s3 =	sld [smem:$0x3FDB];
	s0 =	simm.s32 @p2 $0x1  }
0x17: {  	s4 =	simm.s32 $0x1BF5;
	[smem:$0x3FA7] =	sst s0  }
0x18: {  	s0 =	sld [smem:$0x3F8A];
	_ =	swait.ge [sflag:s4], $0x0  }
0x19: {  	s7 =	sld [smem:$0x3F8B]  }
0x1a: {  	s8 =	sadd.s32 $0xFFFFE003, lr  }
0x1b: {  	s9 =	sadd.s32 $0xFFFFFEF7, lr;
	s5 =	simm.s32 $0xFFFFFFFF;
	p2 =	slt.u32 s8, $0xFFFFF086  }
0x1c: {  	p1 =	slt.u32 s9, $0xF7A;
	s5 =	simm.s32 @!p2 $0x0  }
0x1d: {  	s5 =	simm.s32 @p1 $0x1;
	p0 =	seq.s32 s7, s2  }
0x1e: {  	s7 =	smul.u32 @!p0 $0xF7A, s2;
	p2 =	seq.s32 @!p0 s5, $0x0  }
0x1f: {  	s9 =	smul.u32 $0xF7A, s1;
	s8 =	simm.s32 @!p0 $0x1BF5;
	p2 =	por !p2, p0  }
0x20: {  	[sflag:s8] =	ssyncset.s32 @!p0 $0xFFFFF086;
	s6 =	sadd.s32 @!p0 s3, s7;
	s7 =	simm.s32 @!p0 $0x108  }
0x21: {  	s3 =	sadd.s32 s3, s9;
	s6 =	sadd.s32 @!p0 $0x88, s6;
	s7 =	simm.s32 @p2 $0x1082  }
0x22: {  	[simem:s7], [sflag:s8] =	dma.local @!p0 [hbm:s6], $0xF7A  }
0x23: {  	s9 =	sor.u32 $0xD0000000, s2;
	s6 =	simm.s32 $0x108;
	_ =	swait.ge @!p0 [sflag:s8], $0x0  }
0x24: {  	s3 =	sadd.s32 $0x88, s3;
	s6 =	simm.s32 @!p1 $0x1082;
	[sflag:s4] =	ssyncset.s32 $0xFFFFF086  }
0x25: {  	[simem:s6], [sflag:s4] =	dma.local [hbm:s3], $0xF7A  }
0x26: {  	[smem:$0x3F8B] =	sst s1;
	(tag) =	ssettag s2;
	_ =	strace s9  }
0x27: {  	s1 =	sld [smem:$0x3F9B]  }
0x28: {  	s2 =	sld [smem:$0x3F9C]  }
0x29: {  	s4 =	sld [smem:$0x3F9E]  }
0x2a: {  	p0 =	seq.s32 s5, $0x0;
	s5 =	sld [smem:$0x3F9F]  }
0x2b: {  	s6 =	sld [smem:$0x3FA0]  }
0x2c: {  	s7 =	sld [smem:$0x3FA1]  }
0x2d: {  	s3 =	simm.s32 $0x108;
	s8 =	sld [smem:$0x3FA2]  }
0x2e: {  	s3 =	simm.s32 @!p0 $0x1082;
	s9 =	sld [smem:$0x3FA3]  }
0x2f: {  	lr =	sadd.s32 s0, s3;
	s0 =	sld [smem:$0x3F9A]  }
0x30: {  	s3 =	sld [smem:$0x3F9D]  }
0x31: {  	[smem:$0x3FA6] =	sst s10  }
0x32: {  	s10 =	sld [smem:$0x3FA4];
	_ =	sdelay $0x3  }
0x33: {  	p0 =	seq.s32 s10, $0x1;
	s10 =	sld [smem:$0x3FA6];
	_ =	sdelay $0x3  }
0x34: {  	[smem:$0x3FA6] =	sst s10  }
0x35: {  	s10 =	sld [smem:$0x3FA5];
	_ =	sdelay $0x3  }
0x36: {  	p1 =	seq.s32 s10, $0x1;
	s10 =	sld [smem:$0x3FA6];
	_ =	sdelay $0x3  }
0x37: {  	[smem:$0x3FA6] =	sst s10  }
0x38: {  	s10 =	sld [smem:$0x3FA7]  }
0x39: {  	_ = 	snop;
	(pc) =	sbr.ind lr, $3  }
0x3a: {  	_ = 	snop  }
0x3b: {  	_ = 	snop  }
0x3c: {  	p2 =	seq.s32 s10, $0x1;
	s10 =	sld [smem:$0x3FA6]  }
0x3d: {  	_ =	shalt  }
0x3e: {  	_ =	shalt  }
0x3f: {  	_ =	shalt  }
0x40: {  	_ =	shalt  }
0x41: {  	_ =	shalt  }
0x42: {  	_ =	shalt  }
0x43: {  	_ =	shalt  }
0x44: {  	_ =	shalt  }
0x45: {  	_ =	shalt  }
0x46: {  	_ =	shalt  }
0x47: {  	_ =	shalt  }
0x48: {  	_ =	shalt  }
0x49: {  	_ =	shalt  }
0x4a: {  	_ =	shalt  }
0x4b: {  	_ =	shalt  }
0x4c: {  	_ =	shalt  }
0x4d: {  	_ =	shalt  }
0x4e: {  	_ =	shalt  }
0x4f: {  	_ =	shalt  }
0x50: {  	_ =	shalt  }
0x51: {  	_ =	shalt  }
0x52: {  	_ =	shalt  }
0x53: {  	_ =	shalt  }
0x54: {  	_ =	shalt  }
0x55: {  	_ =	shalt  }
0x56: {  	_ =	shalt  }
0x57: {  	_ =	shalt  }
0x58: {  	_ =	shalt  }
0x59: {  	_ =	shalt  }
0x5a: {  	_ =	shalt  }
0x5b: {  	_ =	shalt  }
0x5c: {  	_ =	shalt  }
0x5d: {  	_ =	shalt  }
0x5e: {  	_ =	shalt  }
0x5f: {  	_ =	shalt  }
0x60: {  	_ =	shalt  }
0x61: {  	_ =	shalt  }
0x62: {  	_ =	shalt  }
0x63: {  	_ =	shalt  }
0x64: {  	_ =	shalt  }
0x65: {  	_ =	shalt  }
0x66: {  	_ =	shalt  }
0x67: {  	_ =	shalt  }
0x68: {  	_ =	shalt  }
0x69: {  	_ =	shalt  }
0x6a: {  	_ =	shalt  }
0x6b: {  	_ =	shalt  }
0x6c: {  	_ =	shalt  }
0x6d: {  	_ =	shalt  }
0x6e: {  	_ =	shalt  }
0x6f: {  	_ =	shalt  }
0x70: {  	_ =	shalt  }
0x71: {  	_ =	shalt  }
0x72: {  	_ =	shalt  }
0x73: {  	_ =	shalt  }
0x74: {  	_ =	shalt  }
0x75: {  	_ =	shalt  }
0x76: {  	_ =	shalt  }
0x77: {  	_ =	shalt  }
0x78: {  	_ =	shalt  }
0x79: {  	_ =	shalt  }
0x7a: {  	_ =	shalt  }
0x7b: {  	_ =	shalt  }
0x7c: {  	_ =	shalt  }
0x7d: {  	_ =	shalt  }
0x7e: {  	_ =	shalt  }
0x7f: {  	_ =	shalt  }
0x80: {  	_ =	shalt  }
0x81: {  	_ =	shalt  }
0x82: {  	_ =	shalt  }
0x83: {  	_ =	shalt  }
0x84: {  	_ =	shalt  }
0x85: {  	_ =	shalt  }
0x86: {  	_ =	shalt  }
0x87: {  	_ =	shalt  }
.Lfunc_end0:
.L_simem_size_0:
called_computation.1_lowered:
.L_overlay_start_0:
0x88: {  	s2 =	sld [smem:$0x3FD9]  }
0x89: {  	s3 =	sld [smem:$0x3FFE];
	_ =	sdelay $0x1  }
0x8a: {  	s1 =	srdreg.scid  }
0x8b: {  	s0 =	sand.u32 $0x1, s1  }
0x8c: {  	s16 =	sshll.u32 s0, $0xA;
	s2 =	sadd.s32 s3, s2  }
0x8d: {  	s2 =	sadd.s32 s2, s16  }
0x8e: {  	[smem:$0x3FB2] =	sst s2  }
0x8f: {  	_ = 	snop  }
0x90: {  	(tm) =	ssettm $0x1  }
0x91: {  	s17 =	sld [smem:$0x3FFB];
	_ =	sdelay $0x3  }
0x92: {  	_ =	strace s17  }
0x93: {  	s2 =	sld [smem:$0x3FFC];
	_ =	sdelay $0x3  }
0x94: {  	_ =	strace s2  }
0x95: {  	s2 =	sld [smem:$0x3FFD];
	_ =	sdelay $0x3  }
0x96: {  	_ =	strace s2  }
0x97: {  	_ =	strace $0x8FFFFFFF  }
0x98: {  	s18 =	sld [smem:$0x3FDB];
	_ =	sdelay $0x1  }
0x99: {  	s19 =	simm.s32 $_scs_section_size  }
0x9a: {  	s4 =	simm.s32 $_size__tile_overlayer_lowered;
	s5 =	simm.s32 $_tile_overlayer_lowered  }
0x9b: {  	s22 =	simm.s32 $0x1BFF;
	s21 =	sshll.u32 s5, $0x1;
	s2 =	sadd.s32 s19, s18  }
0x9c: {  	s6 =	simm.s32 $0x0;
	s20 =	sshll.u32 s4, $0x1;
	s4 =	sadd.s32 s21, s2  }
0x9d: {  	[timem:s6], [sflag:s22] =	dma.local [hbm:s4], s20  }
0x9e: {  	_ =	swait.ge [sflag:s22], s20  }
0x9f: {  	s3 =	ssub.s32 $0x0, s20;
	[sflag:s22] =	ssyncset.done $0x0  }
0xa0: {  	[sflag:s22] =	ssyncadd.s32 s3;
	_ =	sdelay $0x1  }
0xa1: {  	s23 =	simm.s32 $0x1B8B  }
0xa2: {  	_ =	swait.ge [sflag:s23], $0x1  }
0xa3: {  	[sflag:s23] =	ssyncset.done $0x0  }
0xa4: {  	s25 =	simm.s32 $0x1B8E;
	s24 =	sld [smem:$0x3FFE];
	[sflag:s23] =	ssyncadd.s32 $0xFFFFFFFF  }
0xa5: {  	s26 =	simm.s32 $execute0_lowered;
	[smem:$0x3FD2] =	sst s25  }
0xa6: {  	s4 =	sshll.u32 s26, $0x1;
	_ =	strace $0x80000049;
	[dreg:$0x1] =	wrdreg $0xFFFFFFFF  }
0xa7: {  	s28 =	simm.s32 $_size_execute0_lowered;
	s2 =	sadd.s32 s2, s4;
	[dreg:$0x0] =	wrdreg $0x0  }
0xa8: {  	s4 =	sshll.u32 s28, $0x1;
	[dreg:$0x2] =	wrdreg s2  }
0xa9: {  	[dreg:$0x3] =	wrdreg s4  }
0xaa: {  	[dreg:$0x4] =	wrdreg $0xC0  }
0xab: {  	_ =	task [dreg:s6], $0x5FFFF  }
0xac: {  	[dreg:$0x1] =	wrdreg $0xFFFFFFFF  }
0xad: {  	[dreg:$0x0] =	wrdreg $0x60  }
0xae: {  	[dreg:$0x2] =	wrdreg s24  }
0xaf: {  	[dreg:$0x3] =	wrdreg $0x53000  }
0xb0: {  	[dreg:$0x4] =	wrdreg $0x9  }
0xb1: {  	_ =	task.clear_ibuf [dreg:s6], $0x5FFFF;
	_ =	strace $0x90000049  }
0xb2: {  	s29 =	simm.s32 $0x9;
	_ =	strace $0x8000004B  }
0xb3: {  	_ =	swait.ge [sflag:s29], $0x1  }
0xb4: {  	[sflag:s29] =	ssyncadd.s32 $0xFFFFFFFF  }
0xb5: {  	_ =	strace $0x9000004B  }
0xb6: {  	_ =	sfence  }
0xb7: {  	s30 =	sld [smem:$0x0];
	_ =	sdelay $0x2  }
0xb8: {  	s31 =	sshll.u32 s1, $0xD;
	s1 =	sshrl.u32 s1, $0x2  }
0xb9: {  	s3 =	sand.u32 $0x4000, s31;
	s1 =	sadd.s32 s1, s30  }
0xba: {  	s0 =	sor.u32 s3, s0;
	s1 =	sshll.u32 s1, $0x11  }
0xbb: {  	s0 =	sor.u32 s1, s0  }
0xbc: {  	s0 =	sadd.s32 $0x8F2B, s0  }
0xbd: {  	[sflag:s0] =	ssyncadd.remote.s32 $0x1  }
0xbe: {  	_ =	sfence.sel $0xFFFF  }
0xbf: {  	[dreg:$0x0] =	wrdreg $0xFFFFFFFF;
	(pc) =	sbr.abs _section_cstart, $3  }
0xc0: {  	[dreg:$0x1] =	wrdreg $0xFFFFFFFF  }
0xc1: {  	_ =	task.clear_ibuf [dreg:s6], $0x2FFFF;
	_ =	strace $0x9FFFFFFF  }
0xc2: {  	(tm) =	ssettm $0x7FFFFFFF  }
0xc3: {  	_ =	shalt  }
tec
execute0_lowered:
.L_overlay_start_1:
0x0: {  	(tag) =	ssettag $0x1  }
0x1: {  	s8 =	rddreg [dreg:$0x0]  }
0x2: {  	s1 =	rddreg [dreg:$0x1]  }
0x3: {  	s2 =	simm.s32 $0x0;
	s5 =	srdreg.scid;
	s3 =	stileid.u32  }
0x4: {  	s20 =	simm.s32 $0x300;
	s21 =	simm.s32 $0x2;
	s22 =	simm.s32 $0x3  }
0x5: {  	s23 =	simm.s32 $0x0;
	[smem:$0x7FF] =	sst s2;
	s4 =	sadd.s32 $0x5C00, s8  }
0x6: {  	s13 =	sadd.s32 $0x8B000, s8;
	s7 =	sand.u32 $0x1, s5;
	s6 =	smul.u32 $0x4E000, s3  }
0x7: {  	s11 =	sadd.s32 $0xAA400, s8;
	s12 =	smul.u32 $0x13800, s3;
	s17 =	sadd.s32 $0x138000, s1  }
0x8: {  	s18 =	smul.u32 $0x7D00, s3;
	s8 =	sadd.s32 $0x2CC00, s8;
	p0 =	sne.s32 s3, $0xF  }
0x9: {  	s29 =	sshll.u32 s3, $0x6;
	_ =	strace $0x8000004A;
	s30 =	smul.u32 $0x138800, s7  }
0xa: {  	s5 =	ssub.s32 $0x2, s7;
	s10 =	sshll.u32 s7, $0x4;
	s16 =	smul.u32 $0x7D000, s7  }
0xb: {  	s9 =	sshrl.u32 s5, $0x1;
	s25 =	sor.u32 s3, s10;
	s6 =	sshrl.u32 s6, $0x2  }
0xc: {  	s26 =	sshrl.u32 s12, $0x3;
	s14 =	ssub.s32 s5, s9;
	s15 =	sadd.s32 s6, s1  }
0xd: {  	s28 =	smul.u32 $0x7D00, s25;
	s5 =	sadd.s32 s4, s26;
	s6 =	sor.u32 $0x1C04, s29  }
0xe: {  	s12 =	sadd.s32 s12, s30;
	s19 =	sshrl.u32 s30, $0x3;
	s16 =	sadd.s32 s18, s16  }
0xf: {  	s18 =	simm.s32 $0x1;
	s12 =	sshrl.u32 s12, $0x3;
	s16 =	sadd.s32 $0x200, s16  }
.Ltmp0:
0x10: {  	s9 =	sshrl.u32 s28, $0x3;
	s10 =	sadd.s32 s11, s12;
	(pc) =	sbr.rel .LBB2_1-.Ltmp0, $4  }
0x11: {  	s11 =	sadd.s32 s11, s19;
	s12 =	smax.u32 s14, $0x1;
	s31 =	sshrl.u32 s16, $0x3  }
0x12: {  	s14 =	sshrl.u32 s15, $0x3;
	s15 =	simm.s32 $0x4;
	s16 =	sshrl.u32 @!p0 s17, $0x3  }
0x13: {  	s17 =	simm.s32 $0x100;
	s19 =	simm.s32 $0x50;
	s7 =	sadd.s32 s13, s9  }
0x14: {  	s11 =	sadd.s32 $0x27000, s11;
	s13 =	sadd.s32 s31, s13;
	s9 =	sadd.s32 $0x20, s7  }
.LBB2_3:
0x15: {  	s24 =	sshll.u32 s26, $0x8  }
0x16: {  	s24 =	sor.u32 $0x80, s24  }
0x17: {  	[spmem:s1] =	stream.indirect.scatter.add.f32 [tilespmem:s25], [sflag:$0x3], $0x80, s24, s19, $0xb8;
	[tilespmem:$0x18B80] =	vst v63  }
.LBB2_5:
0x18: {  	_ =	swait.ge [sflag:s22], $0x2800  }
0x19: {  	[sflag:s22] =	ssyncset.done $0x0  }
0x1a: {  	[sflag:s22] =	ssyncadd.s32 $0xFFFFD800  }
0x1b: {  	[bflag:$0x0] =	sbarrier.arrive $0xFFFF  }
0x1c: {  	[hbm:s10], [sflag:s6] =	dma.local [spmem:s14], $0x2700  }
0x1d: {  	s23 =	sadd.s32 $0x1, s23;
	_ =	swait.ge [sflag:s15], $0x2700  }
0x1e: {  	p1 =	sne.s32 s23, s12;
	[sflag:s15] =	ssyncset.done $0x0  }
.Ltmp1:
0x1f: {  	s0 =	simm.s32 @!p0 $0x4;
	[sflag:s15] =	ssyncadd.s32 $0xFFFFD900;
	(pc) =	sbr.rel @!p1 .LBB2_6-.Ltmp1, $4  }
0x20: {  	[hbm:s11], [sflag:s6] =	dma.local @!p0 [spmem:s16], $0x100  }
0x21: {  	_ =	swait.ge @!p0 [sflag:s0], $0x100  }
0x22: {  	[sflag:s0] =	ssyncset.done @!p0 $0x0  }
0x23: {  	[sflag:s0] =	ssyncadd.s32 @!p0 $0xFFFFFF00  }
.LBB2_1:
0x24: {  	[spmem:s14], [sflag:s6] =	dma.local [hbm:s5], $0x2700  }
0x25: {  	_ =	swait.ge [sflag:s15], $0x2700  }
0x26: {  	[sflag:s15] =	ssyncset.done $0x0  }
0x27: {  	s24 =	simm.s32 @!p0 $0x4;
	[sflag:s15] =	ssyncadd.s32 $0xFFFFD900  }
0x28: {  	[spmem:s16], [sflag:s6] =	dma.local @!p0 [hbm:s8], $0x100  }
0x29: {  	_ =	swait.ge @!p0 [sflag:s24], $0x100  }
0x2a: {  	[sflag:s24] =	ssyncset.done @!p0 $0x0  }
0x2b: {  	[sflag:s24] =	ssyncadd.s32 @!p0 $0xFFFFFF00  }
0x2c: {  	[bflag:$0x0] =	sbarrier.arrive $0xFFFF  }
0x2d: {  	[tilespmem:s2], [sflag:$0x1] =	stream.linear.gather [hbm4b:s7+s2], $0x100, $0x38;
	[tilespmem:$0x18B80] =	vst v63  }
0x2e: {  	_ = 	snop  }
0x2f: {  	[tilespmem:s17], [sflag:$0x1] =	stream.linear.gather [hbm4b:s9+s2], $0x100, $0x38;
	[tilespmem:$0x18B80] =	vst v63  }
0x30: {  	_ =	swait.ge [sflag:s18], $0x100  }
0x31: {  	[sflag:s18] =	ssyncset.done $0x0  }
0x32: {  	s28 =	simm.s32 $0x0;
	s24 =	smov.u32 s13;
	[sflag:s18] =	ssyncadd.s32 $0xFFFFFF00  }
0x33: {  	[tilespmem:s20], [sflag:$0x2] =	stream.indirect.gather [hbm4b:s4+s19], $0x80, s2, s19, $0xb8;
	[tilespmem:$0x18B80] =	vst v63  }
.LBB2_2:
0x34: {  	s25 =	smul.u32 $0xAB, s28;
	p1 =	seq.s32 s28, $0x0  }
0x35: {  	_ =	swait.ge [sflag:s21], $0x2800;
	s29 =	sand.u32 $0x1, s28;
	p2 =	sne.s32 @!p1 s28, $0x7C  }
0x36: {  	s26 =	smul.u32 $0xA000, s29;
	s25 =	sshrl.u32 s25, $0x9;
	p2 =	por p1, p2  }
.Ltmp2:
0x37: {  	[sflag:s21] =	ssyncset.done $0x0;
	s25 =	sand.u32 $0x7F, s25;
	(pc) =	sbr.rel @!p2 .LBB2_3-.Ltmp2, $4  }
0x38: {  	s30 =	simm.s32 @!p1 $0x3;
	[sflag:s21] =	ssyncadd.s32 $0xFFFFD800;
	s25 =	smul.u32 $0x3, s25  }
0x39: {  	_ =	swait.ge @!p1 [sflag:s30], $0x2800  }
0x3a: {  	s31 =	sshrl.u32 s26, $0x2;
	[sflag:s30] =	ssyncset.done @!p1 $0x0;
	s25 =	ssub.s32 s28, s25  }
0x3b: {  	[sflag:s30] =	ssyncadd.s32 @!p1 $0xFFFFD800;
	s26 =	sand.u32 $0xFF, s25;
	s25 =	sor.u32 $0x300, s31  }
0x3c: {  	s30 =	sadd.s32 $0x1, s28  }
0x3d: {  	p1 =	sgt.u32 s28, $0x7A;
	s31 =	sand.u32 $0xFF, s30  }
0x3e: {  	s28 =	sadd.s32 @!p1 $0x2, s28;
	s31 =	smul.u32 $0xAB, s31  }
0x3f: {  	s0 =	smul.u32 @!p1 $0xAB, s28  }
0x40: {  	s29 =	sxor.u32 $0x1, s29  }
0x41: {  	s29 =	smul.u32 $0xA000, s29;
	s31 =	sshrl.u32 s31, $0x9;
	s0 =	sshrl.u32 @!p1 s0, $0x9  }
0x42: {  	_ =	swait.ge [sflag:s18], $0x100;
	s31 =	smul.u32 $0x3, s31;
	s0 =	sand.u32 @!p1 $0x7F, s0  }
0x43: {  	[sflag:s18] =	ssyncset.done $0x0;
	s0 =	smul.u32 @!p1 $0x3, s0  }
0x44: {  	[sflag:s18] =	ssyncadd.s32 $0xFFFFFF00;
	s31 =	ssub.s32 s30, s31  }
0x45: {  	s29 =	sshrl.u32 s29, $0x2;
	s31 =	sand.u32 $0xFF, s31;
	s0 =	ssub.s32 @!p1 s28, s0  }
0x46: {  	s29 =	sor.u32 $0x300, s29;
	s31 =	sshll.u32 s31, $0x8;
	s0 =	sand.u32 @!p1 $0xFF, s0  }
0x47: {  	[tilespmem:s29], [sflag:$0x2] =	stream.indirect.gather [hbm4b:s4+s19], $0x80, s31, s19, $0xb8;
	[tilespmem:$0x18B80] =	vst v63  }
0x48: {  	s28 =	simm.s32 @!p1 $0x0;
	s0 =	sshll.u32 @!p1 s0, $0x8  }
0x49: {  	[tilespmem:s0], [sflag:$0x1] =	stream.linear.gather @!p1 [hbm4b:s24+s28], $0x100, $0x38;
	[tilespmem:$0x18B80] =	vst v63  }
0x4a: {  	p1 =	sne.s32 s30, $0x7D  }
.Ltmp3:
0x4b: {  	_ = 	snop;
	(pc) =	sbr.rel @p1 .LBB2_2-.Ltmp3, $4  }
.Ltmp4:
0x4c: {  	_ = 	snop;
	(pc) =	sbr.rel @!p1 .LBB2_5-.Ltmp4, $4  }
0x4d: {  	s31 =	sshll.u32 s26, $0x8  }
0x4e: {  	s0 =	sor.u32 $0x80, s31;
	s24 =	sadd.s32 $0x20, s24;
	s28 =	smov.u32 s30  }
0x4f: {  	[spmem:s1] =	stream.indirect.scatter.add.f32 [tilespmem:s25], [sflag:$0x3], $0x80, s0, s19, $0xb8;
	[tilespmem:$0x18B80] =	vst v63  }
0x50: {  	_ = 	snop  }
.LBB2_6:
0x51: {  	_ =	sfence.sel $0x180000  }
0x52: {  	[bflag:$0x0] =	sbarrier.arrive $0xFFFF  }
0x53: {  	_ =	strace $0x9000004A  }
0x54: {  	[bflag:$0x2] =	sbarrier.arrive $0xFFFF  }
0x55: {  	p0 =	sne.s32 s3, $0x0;
	s0 =	rddreg [dreg:$0x2]  }
0x56: {  	s0 =	sadd.s32 @!p0 $0x100000, s0  }
0x57: {  	[sflag:s0] =	ssyncadd.tile.s32 @!p0 $0x1;
	_ =	shalt  }
.Lfunc_end2:
_tile_overlayer_lowered:
.L_overlay_start_2:
0x58: {  	(tag) =	ssettag $0x2  }
0x59: {  	s0 =	rddreg [dreg:$0x0];
	s2 =	stileid.u32  }
0x5a: {  	s1 =	rddreg [dreg:$0x1];
	p0 =	sne.s32 s2, $0x0  }
0x5b: {  	s3 =	rddreg [dreg:$0x2];
	[bflag:$0x3] =	sbarrier.arrive $0xFFFF;
	s2 =	simm.s32 @!p0 $0x1C04  }
0x5c: {  	[timem:s3], [sflag:s2] =	dma.local @!p0 [hbm:s0], s1  }
0x5d: {  	s0 =	simm.s32 @!p0 $0x4  }
0x5e: {  	_ =	swait.ge @!p0 [sflag:s0], s1  }
0x5f: {  	s1 =	ssub.s32 @!p0 $0x0, s1;
	[sflag:s0] =	ssyncset.done @!p0 $0x0  }
0x60: {  	[sflag:s0] =	ssyncadd.s32 @!p0 s1  }
0x61: {  	[bflag:$0x3] =	sbarrier.arrive $0xFFFF  }
0x62: {  	_ =	shalt  }

// kernel: kernel.14.cloned.1.call-start
scs
__scs_entry_jumppad:
0x0: {  	(pc) =	sbr.rel $0x88, $3  }
0x1: {  	(tag) =	ssettag $0x0;
	lr =	simm.s32 $0x1  }
0x2: {  	[smem:$0x3F8B] =	sst lr;
	_ =	strace $0xD0000000  }
0x3: {  	_ = 	snop  }
0x4: {  	_ = 	snop  }
0x5: {  	_ = 	snop  }
0x6: {  	_ = 	snop  }
0x7: {  	_ = 	snop  }
__scs_overlays_trampoline_lowered:
0x8: {  	[smem:$0x3F9A] =	sst s0  }
0x9: {  	[smem:$0x3F9B] =	sst s1  }
0xa: {  	[smem:$0x3F9C] =	sst s2  }
0xb: {  	[smem:$0x3F9D] =	sst s3  }
0xc: {  	[smem:$0x3F9E] =	sst s4  }
0xd: {  	[smem:$0x3F9F] =	sst s5  }
0xe: {  	[smem:$0x3FA0] =	sst s6  }
0xf: {  	[smem:$0x3FA1] =	sst s7  }
0x10: {  	[smem:$0x3FA2] =	sst s8  }
0x11: {  	[smem:$0x3FA3] =	sst s9;
	s0 =	simm.s32 @!p0 $0x0  }
0x12: {  	s1 =	sld [smem:$0x3F89];
	s0 =	simm.s32 @p0 $0x1  }
0x13: {  	[smem:$0x3FA4] =	sst s0;
	s0 =	simm.s32 @!p1 $0x0  }
0x14: {  	s2 =	sld [smem:$0x3F88];
	s0 =	simm.s32 @p1 $0x1  }
0x15: {  	[smem:$0x3FA5] =	sst s0;
	s0 =	simm.s32 @!p2 $0x0  }
0x16: {  	s3 =	sld [smem:$0x3FDB];
	s0 =	simm.s32 @p2 $0x1  }
0x17: {  	s4 =	simm.s32 $0x1BF5;
	[smem:$0x3FA7] =	sst s0  }
0x18: {  	s0 =	sld [smem:$0x3F8A];
	_ =	swait.ge [sflag:s4], $0x0  }
0x19: {  	s7 =	sld [smem:$0x3F8B]  }
0x1a: {  	s8 =	sadd.s32 $0xFFFFE003, lr  }
0x1b: {  	s9 =	sadd.s32 $0xFFFFFEF7, lr;
	s5 =	simm.s32 $0xFFFFFFFF;
	p2 =	slt.u32 s8, $0xFFFFF086  }
0x1c: {  	p1 =	slt.u32 s9, $0xF7A;
	s5 =	simm.s32 @!p2 $0x0  }
0x1d: {  	s5 =	simm.s32 @p1 $0x1;
	p0 =	seq.s32 s7, s2  }
0x1e: {  	s7 =	smul.u32 @!p0 $0xF7A, s2;
	p2 =	seq.s32 @!p0 s5, $0x0  }
0x1f: {  	s9 =	smul.u32 $0xF7A, s1;
	s8 =	simm.s32 @!p0 $0x1BF5;
	p2 =	por !p2, p0  }
0x20: {  	[sflag:s8] =	ssyncset.s32 @!p0 $0xFFFFF086;
	s6 =	sadd.s32 @!p0 s3, s7;
	s7 =	simm.s32 @!p0 $0x108  }
0x21: {  	s3 =	sadd.s32 s3, s9;
	s6 =	sadd.s32 @!p0 $0x88, s6;
	s7 =	simm.s32 @p2 $0x1082  }
0x22: {  	[simem:s7], [sflag:s8] =	dma.local @!p0 [hbm:s6], $0xF7A  }
0x23: {  	s9 =	sor.u32 $0xD0000000, s2;
	s6 =	simm.s32 $0x108;
	_ =	swait.ge @!p0 [sflag:s8], $0x0  }
0x24: {  	s3 =	sadd.s32 $0x88, s3;
	s6 =	simm.s32 @!p1 $0x1082;
	[sflag:s4] =	ssyncset.s32 $0xFFFFF086  }
0x25: {  	[simem:s6], [sflag:s4] =	dma.local [hbm:s3], $0xF7A  }
0x26: {  	[smem:$0x3F8B] =	sst s1;
	(tag) =	ssettag s2;
	_ =	strace s9  }
0x27: {  	s1 =	sld [smem:$0x3F9B]  }
0x28: {  	s2 =	sld [smem:$0x3F9C]  }
0x29: {  	s4 =	sld [smem:$0x3F9E]  }
0x2a: {  	p0 =	seq.s32 s5, $0x0;
	s5 =	sld [smem:$0x3F9F]  }
0x2b: {  	s6 =	sld [smem:$0x3FA0]  }
0x2c: {  	s7 =	sld [smem:$0x3FA1]  }
0x2d: {  	s3 =	simm.s32 $0x108;
	s8 =	sld [smem:$0x3FA2]  }
0x2e: {  	s3 =	simm.s32 @!p0 $0x1082;
	s9 =	sld [smem:$0x3FA3]  }
0x2f: {  	lr =	sadd.s32 s0, s3;
	s0 =	sld [smem:$0x3F9A]  }
0x30: {  	s3 =	sld [smem:$0x3F9D]  }
0x31: {  	[smem:$0x3FA6] =	sst s10  }
0x32: {  	s10 =	sld [smem:$0x3FA4];
	_ =	sdelay $0x3  }
0x33: {  	p0 =	seq.s32 s10, $0x1;
	s10 =	sld [smem:$0x3FA6];
	_ =	sdelay $0x3  }
0x34: {  	[smem:$0x3FA6] =	sst s10  }
0x35: {  	s10 =	sld [smem:$0x3FA5];
	_ =	sdelay $0x3  }
0x36: {  	p1 =	seq.s32 s10, $0x1;
	s10 =	sld [smem:$0x3FA6];
	_ =	sdelay $0x3  }
0x37: {  	[smem:$0x3FA6] =	sst s10  }
0x38: {  	s10 =	sld [smem:$0x3FA7]  }
0x39: {  	_ = 	snop;
	(pc) =	sbr.ind lr, $3  }
0x3a: {  	_ = 	snop  }
0x3b: {  	_ = 	snop  }
0x3c: {  	p2 =	seq.s32 s10, $0x1;
	s10 =	sld [smem:$0x3FA6]  }
0x3d: {  	_ =	shalt  }
0x3e: {  	_ =	shalt  }
0x3f: {  	_ =	shalt  }
0x40: {  	_ =	shalt  }
0x41: {  	_ =	shalt  }
0x42: {  	_ =	shalt  }
0x43: {  	_ =	shalt  }
0x44: {  	_ =	shalt  }
0x45: {  	_ =	shalt  }
0x46: {  	_ =	shalt  }
0x47: {  	_ =	shalt  }
0x48: {  	_ =	shalt  }
0x49: {  	_ =	shalt  }
0x4a: {  	_ =	shalt  }
0x4b: {  	_ =	shalt  }
0x4c: {  	_ =	shalt  }
0x4d: {  	_ =	shalt  }
0x4e: {  	_ =	shalt  }
0x4f: {  	_ =	shalt  }
0x50: {  	_ =	shalt  }
0x51: {  	_ =	shalt  }
0x52: {  	_ =	shalt  }
0x53: {  	_ =	shalt  }
0x54: {  	_ =	shalt  }
0x55: {  	_ =	shalt  }
0x56: {  	_ =	shalt  }
0x57: {  	_ =	shalt  }
0x58: {  	_ =	shalt  }
0x59: {  	_ =	shalt  }
0x5a: {  	_ =	shalt  }
0x5b: {  	_ =	shalt  }
0x5c: {  	_ =	shalt  }
0x5d: {  	_ =	shalt  }
0x5e: {  	_ =	shalt  }
0x5f: {  	_ =	shalt  }
0x60: {  	_ =	shalt  }
0x61: {  	_ =	shalt  }
0x62: {  	_ =	shalt  }
0x63: {  	_ =	shalt  }
0x64: {  	_ =	shalt  }
0x65: {  	_ =	shalt  }
0x66: {  	_ =	shalt  }
0x67: {  	_ =	shalt  }
0x68: {  	_ =	shalt  }
0x69: {  	_ =	shalt  }
0x6a: {  	_ =	shalt  }
0x6b: {  	_ =	shalt  }
0x6c: {  	_ =	shalt  }
0x6d: {  	_ =	shalt  }
0x6e: {  	_ =	shalt  }
0x6f: {  	_ =	shalt  }
0x70: {  	_ =	shalt  }
0x71: {  	_ =	shalt  }
0x72: {  	_ =	shalt  }
0x73: {  	_ =	shalt  }
0x74: {  	_ =	shalt  }
0x75: {  	_ =	shalt  }
0x76: {  	_ =	shalt  }
0x77: {  	_ =	shalt  }
0x78: {  	_ =	shalt  }
0x79: {  	_ =	shalt  }
0x7a: {  	_ =	shalt  }
0x7b: {  	_ =	shalt  }
0x7c: {  	_ =	shalt  }
0x7d: {  	_ =	shalt  }
0x7e: {  	_ =	shalt  }
0x7f: {  	_ =	shalt  }
0x80: {  	_ =	shalt  }
0x81: {  	_ =	shalt  }
0x82: {  	_ =	shalt  }
0x83: {  	_ =	shalt  }
0x84: {  	_ =	shalt  }
0x85: {  	_ =	shalt  }
0x86: {  	_ =	shalt  }
0x87: {  	_ =	shalt  }
.Lfunc_end0:
.L_simem_size_0:
called_computation.2_lowered:
.L_overlay_start_0:
0x88: {  	s2 =	sld [smem:$0x3FD9]  }
0x89: {  	s3 =	sld [smem:$0x3FFE];
	_ =	sdelay $0x1  }
0x8a: {  	s1 =	srdreg.scid  }
0x8b: {  	s0 =	sand.u32 $0x1, s1  }
0x8c: {  	s16 =	sshll.u32 s0, $0xA;
	s2 =	sadd.s32 s3, s2  }
0x8d: {  	s2 =	sadd.s32 s2, s16  }
0x8e: {  	[smem:$0x3FB2] =	sst s2  }
0x8f: {  	_ = 	snop  }
0x90: {  	(tm) =	ssettm $0x1  }
0x91: {  	s17 =	sld [smem:$0x3FFB];
	_ =	sdelay $0x3  }
0x92: {  	_ =	strace s17  }
0x93: {  	s2 =	sld [smem:$0x3FFC];
	_ =	sdelay $0x3  }
0x94: {  	_ =	strace s2  }
0x95: {  	s2 =	sld [smem:$0x3FFD];
	_ =	sdelay $0x3  }
0x96: {  	_ =	strace s2  }
0x97: {  	_ =	strace $0x8FFFFFFF  }
0x98: {  	s18 =	sld [smem:$0x3FDB];
	_ =	sdelay $0x1  }
0x99: {  	s19 =	simm.s32 $_scs_section_size  }
0x9a: {  	s4 =	simm.s32 $_size__tile_overlayer_lowered;
	s5 =	simm.s32 $_tile_overlayer_lowered  }
0x9b: {  	s22 =	simm.s32 $0x1BFF;
	s21 =	sshll.u32 s5, $0x1;
	s2 =	sadd.s32 s19, s18  }
0x9c: {  	s6 =	simm.s32 $0x0;
	s20 =	sshll.u32 s4, $0x1;
	s4 =	sadd.s32 s21, s2  }
0x9d: {  	[timem:s6], [sflag:s22] =	dma.local [hbm:s4], s20  }
0x9e: {  	_ =	swait.ge [sflag:s22], s20  }
0x9f: {  	s3 =	ssub.s32 $0x0, s20;
	[sflag:s22] =	ssyncset.done $0x0  }
0xa0: {  	[sflag:s22] =	ssyncadd.s32 s3;
	_ =	sdelay $0x1  }
0xa1: {  	s23 =	simm.s32 $0x1B8B  }
0xa2: {  	_ =	swait.ge [sflag:s23], $0x1  }
0xa3: {  	[sflag:s23] =	ssyncset.done $0x0  }
0xa4: {  	s25 =	simm.s32 $0x1B8E;
	s24 =	sld [smem:$0x3FFE];
	[sflag:s23] =	ssyncadd.s32 $0xFFFFFFFF  }
0xa5: {  	s26 =	simm.s32 $execute0_lowered;
	[smem:$0x3FD2] =	sst s25  }
0xa6: {  	s4 =	sshll.u32 s26, $0x1;
	_ =	strace $0x8000004C;
	[dreg:$0x1] =	wrdreg $0xFFFFFFFF  }
0xa7: {  	s28 =	simm.s32 $_size_execute0_lowered;
	s2 =	sadd.s32 s2, s4;
	[dreg:$0x0] =	wrdreg $0x0  }
0xa8: {  	s4 =	sshll.u32 s28, $0x1;
	[dreg:$0x2] =	wrdreg s2  }
0xa9: {  	[dreg:$0x3] =	wrdreg s4  }
0xaa: {  	[dreg:$0x4] =	wrdreg $0xC0  }
0xab: {  	_ =	task [dreg:s6], $0x5FFFF  }
0xac: {  	[dreg:$0x1] =	wrdreg $0xFFFFFFFF  }
0xad: {  	[dreg:$0x0] =	wrdreg $0x60  }
0xae: {  	[dreg:$0x2] =	wrdreg s24  }
0xaf: {  	[dreg:$0x3] =	wrdreg $0x53000  }
0xb0: {  	[dreg:$0x4] =	wrdreg $0x9  }
0xb1: {  	_ =	task.clear_ibuf [dreg:s6], $0x5FFFF;
	_ =	strace $0x9000004C  }
0xb2: {  	s29 =	simm.s32 $0x9;
	_ =	strace $0x8000004E  }
0xb3: {  	_ =	swait.ge [sflag:s29], $0x1  }
0xb4: {  	[sflag:s29] =	ssyncadd.s32 $0xFFFFFFFF  }
0xb5: {  	_ =	strace $0x9000004E  }
0xb6: {  	_ =	sfence  }
0xb7: {  	s30 =	sld [smem:$0x0];
	_ =	sdelay $0x2  }
0xb8: {  	s31 =	sshll.u32 s1, $0xD;
	s1 =	sshrl.u32 s1, $0x2  }
0xb9: {  	s3 =	sand.u32 $0x4000, s31;
	s1 =	sadd.s32 s1, s30  }
0xba: {  	s0 =	sor.u32 s3, s0;
	s1 =	sshll.u32 s1, $0x11  }
0xbb: {  	s0 =	sor.u32 s1, s0  }
0xbc: {  	s0 =	sadd.s32 $0x8F2B, s0  }
0xbd: {  	[sflag:s0] =	ssyncadd.remote.s32 $0x1  }
0xbe: {  	_ =	sfence.sel $0xFFFF  }
0xbf: {  	[dreg:$0x0] =	wrdreg $0xFFFFFFFF;
	(pc) =	sbr.abs _section_cstart, $3  }
0xc0: {  	[dreg:$0x1] =	wrdreg $0xFFFFFFFF  }
0xc1: {  	_ =	task.clear_ibuf [dreg:s6], $0x2FFFF;
	_ =	strace $0x9FFFFFFF  }
0xc2: {  	(tm) =	ssettm $0x7FFFFFFF  }
0xc3: {  	_ =	shalt  }
tec
execute0_lowered:
.L_overlay_start_1:
0x0: {  	(tag) =	ssettag $0x1  }
0x1: {  	s8 =	rddreg [dreg:$0x0]  }
0x2: {  	s1 =	rddreg [dreg:$0x1]  }
0x3: {  	s2 =	simm.s32 $0x0;
	s5 =	srdreg.scid;
	s3 =	stileid.u32  }
0x4: {  	s20 =	simm.s32 $0x300;
	s21 =	simm.s32 $0x2;
	s22 =	simm.s32 $0x3  }
0x5: {  	s23 =	simm.s32 $0x0;
	[smem:$0x7FF] =	sst s2;
	s4 =	sadd.s32 $0x5C00, s8  }
0x6: {  	s13 =	sadd.s32 $0x8B000, s8;
	s7 =	sand.u32 $0x1, s5;
	s6 =	smul.u32 $0x4E000, s3  }
0x7: {  	s11 =	sadd.s32 $0xAA400, s8;
	s12 =	smul.u32 $0x13800, s3;
	s17 =	sadd.s32 $0x138000, s1  }
0x8: {  	s18 =	smul.u32 $0x7D00, s3;
	s8 =	sadd.s32 $0x2CC00, s8;
	p0 =	sne.s32 s3, $0xF  }
0x9: {  	s29 =	sshll.u32 s3, $0x6;
	_ =	strace $0x8000004D;
	s30 =	smul.u32 $0x138800, s7  }
0xa: {  	s5 =	ssub.s32 $0x2, s7;
	s10 =	sshll.u32 s7, $0x4;
	s16 =	smul.u32 $0x7D000, s7  }
0xb: {  	s9 =	sshrl.u32 s5, $0x1;
	s25 =	sor.u32 s3, s10;
	s6 =	sshrl.u32 s6, $0x2  }
0xc: {  	s26 =	sshrl.u32 s12, $0x3;
	s14 =	ssub.s32 s5, s9;
	s15 =	sadd.s32 s6, s1  }
0xd: {  	s28 =	smul.u32 $0x7D00, s25;
	s5 =	sadd.s32 s4, s26;
	s6 =	sor.u32 $0x1C04, s29  }
0xe: {  	s12 =	sadd.s32 s12, s30;
	s19 =	sshrl.u32 s30, $0x3;
	s16 =	sadd.s32 s18, s16  }
0xf: {  	s18 =	simm.s32 $0x1;
	s12 =	sshrl.u32 s12, $0x3;
	s16 =	sadd.s32 $0x200, s16  }
.Ltmp0:
0x10: {  	s9 =	sshrl.u32 s28, $0x3;
	s10 =	sadd.s32 s11, s12;
	(pc) =	sbr.rel .LBB2_1-.Ltmp0, $4  }
0x11: {  	s11 =	sadd.s32 s11, s19;
	s12 =	smax.u32 s14, $0x1;
	s31 =	sshrl.u32 s16, $0x3  }
0x12: {  	s14 =	sshrl.u32 s15, $0x3;
	s15 =	simm.s32 $0x4;
	s16 =	sshrl.u32 @!p0 s17, $0x3  }
0x13: {  	s17 =	simm.s32 $0x100;
	s19 =	simm.s32 $0x50;
	s7 =	sadd.s32 s13, s9  }
0x14: {  	s11 =	sadd.s32 $0x27000, s11;
	s13 =	sadd.s32 s31, s13;
	s9 =	sadd.s32 $0x20, s7  }
.LBB2_3:
0x15: {  	s24 =	sshll.u32 s26, $0x8  }
0x16: {  	s24 =	sor.u32 $0x80, s24  }
0x17: {  	[spmem:s1] =	stream.indirect.scatter.add.f32 [tilespmem:s25], [sflag:$0x3], $0x80, s24, s19, $0xb8;
	[tilespmem:$0x18B80] =	vst v63  }
.LBB2_5:
0x18: {  	_ =	swait.ge [sflag:s22], $0x2800  }
0x19: {  	[sflag:s22] =	ssyncset.done $0x0  }
0x1a: {  	[sflag:s22] =	ssyncadd.s32 $0xFFFFD800  }
0x1b: {  	[bflag:$0x0] =	sbarrier.arrive $0xFFFF  }
0x1c: {  	[hbm:s10], [sflag:s6] =	dma.local [spmem:s14], $0x2700  }
0x1d: {  	s23 =	sadd.s32 $0x1, s23;
	_ =	swait.ge [sflag:s15], $0x2700  }
0x1e: {  	p1 =	sne.s32 s23, s12;
	[sflag:s15] =	ssyncset.done $0x0  }
.Ltmp1:
0x1f: {  	s0 =	simm.s32 @!p0 $0x4;
	[sflag:s15] =	ssyncadd.s32 $0xFFFFD900;
	(pc) =	sbr.rel @!p1 .LBB2_6-.Ltmp1, $4  }
0x20: {  	[hbm:s11], [sflag:s6] =	dma.local @!p0 [spmem:s16], $0x100  }
0x21: {  	_ =	swait.ge @!p0 [sflag:s0], $0x100  }
0x22: {  	[sflag:s0] =	ssyncset.done @!p0 $0x0  }
0x23: {  	[sflag:s0] =	ssyncadd.s32 @!p0 $0xFFFFFF00  }
.LBB2_1:
0x24: {  	[spmem:s14], [sflag:s6] =	dma.local [hbm:s5], $0x2700  }
0x25: {  	_ =	swait.ge [sflag:s15], $0x2700  }
0x26: {  	[sflag:s15] =	ssyncset.done $0x0  }
0x27: {  	s24 =	simm.s32 @!p0 $0x4;
	[sflag:s15] =	ssyncadd.s32 $0xFFFFD900  }
0x28: {  	[spmem:s16], [sflag:s6] =	dma.local @!p0 [hbm:s8], $0x100  }
0x29: {  	_ =	swait.ge @!p0 [sflag:s24], $0x100  }
0x2a: {  	[sflag:s24] =	ssyncset.done @!p0 $0x0  }
0x2b: {  	[sflag:s24] =	ssyncadd.s32 @!p0 $0xFFFFFF00  }
0x2c: {  	[bflag:$0x0] =	sbarrier.arrive $0xFFFF  }
0x2d: {  	[tilespmem:s2], [sflag:$0x1] =	stream.linear.gather [hbm4b:s7+s2], $0x100, $0x38;
	[tilespmem:$0x18B80] =	vst v63  }
0x2e: {  	_ = 	snop  }
0x2f: {  	[tilespmem:s17], [sflag:$0x1] =	stream.linear.gather [hbm4b:s9+s2], $0x100, $0x38;
	[tilespmem:$0x18B80] =	vst v63  }
0x30: {  	_ =	swait.ge [sflag:s18], $0x100  }
0x31: {  	[sflag:s18] =	ssyncset.done $0x0  }
0x32: {  	s28 =	simm.s32 $0x0;
	s24 =	smov.u32 s13;
	[sflag:s18] =	ssyncadd.s32 $0xFFFFFF00  }
0x33: {  	[tilespmem:s20], [sflag:$0x2] =	stream.indirect.gather [hbm4b:s4+s19], $0x80, s2, s19, $0xb8;
	[tilespmem:$0x18B80] =	vst v63  }
.LBB2_2:
0x34: {  	s25 =	smul.u32 $0xAB, s28;
	p1 =	seq.s32 s28, $0x0  }
0x35: {  	_ =	swait.ge [sflag:s21], $0x2800;
	s29 =	sand.u32 $0x1, s28;
	p2 =	sne.s32 @!p1 s28, $0x7C  }
0x36: {  	s26 =	smul.u32 $0xA000, s29;
	s25 =	sshrl.u32 s25, $0x9;
	p2 =	por p1, p2  }
.Ltmp2:
0x37: {  	[sflag:s21] =	ssyncset.done $0x0;
	s25 =	sand.u32 $0x7F, s25;
	(pc) =	sbr.rel @!p2 .LBB2_3-.Ltmp2, $4  }
0x38: {  	s30 =	simm.s32 @!p1 $0x3;
	[sflag:s21] =	ssyncadd.s32 $0xFFFFD800;
	s25 =	smul.u32 $0x3, s25  }
0x39: {  	_ =	swait.ge @!p1 [sflag:s30], $0x2800  }
0x3a: {  	s31 =	sshrl.u32 s26, $0x2;
	[sflag:s30] =	ssyncset.done @!p1 $0x0;
	s25 =	ssub.s32 s28, s25  }
0x3b: {  	[sflag:s30] =	ssyncadd.s32 @!p1 $0xFFFFD800;
	s26 =	sand.u32 $0xFF, s25;
	s25 =	sor.u32 $0x300, s31  }
0x3c: {  	s30 =	sadd.s32 $0x1, s28  }
0x3d: {  	p1 =	sgt.u32 s28, $0x7A;
	s31 =	sand.u32 $0xFF, s30  }
0x3e: {  	s28 =	sadd.s32 @!p1 $0x2, s28;
	s31 =	smul.u32 $0xAB, s31  }
0x3f: {  	s0 =	smul.u32 @!p1 $0xAB, s28  }
0x40: {  	s29 =	sxor.u32 $0x1, s29  }
0x41: {  	s29 =	smul.u32 $0xA000, s29;
	s31 =	sshrl.u32 s31, $0x9;
	s0 =	sshrl.u32 @!p1 s0, $0x9  }
0x42: {  	_ =	swait.ge [sflag:s18], $0x100;
	s31 =	smul.u32 $0x3, s31;
	s0 =	sand.u32 @!p1 $0x7F, s0  }
0x43: {  	[sflag:s18] =	ssyncset.done $0x0;
	s0 =	smul.u32 @!p1 $0x3, s0  }
0x44: {  	[sflag:s18] =	ssyncadd.s32 $0xFFFFFF00;
	s31 =	ssub.s32 s30, s31  }
0x45: {  	s29 =	sshrl.u32 s29, $0x2;
	s31 =	sand.u32 $0xFF, s31;
	s0 =	ssub.s32 @!p1 s28, s0  }
0x46: {  	s29 =	sor.u32 $0x300, s29;
	s31 =	sshll.u32 s31, $0x8;
	s0 =	sand.u32 @!p1 $0xFF, s0  }
0x47: {  	[tilespmem:s29], [sflag:$0x2] =	stream.indirect.gather [hbm4b:s4+s19], $0x80, s31, s19, $0xb8;
	[tilespmem:$0x18B80] =	vst v63  }
0x48: {  	s28 =	simm.s32 @!p1 $0x0;
	s0 =	sshll.u32 @!p1 s0, $0x8  }
0x49: {  	[tilespmem:s0], [sflag:$0x1] =	stream.linear.gather @!p1 [hbm4b:s24+s28], $0x100, $0x38;
	[tilespmem:$0x18B80] =	vst v63  }
0x4a: {  	p1 =	sne.s32 s30, $0x7D  }
.Ltmp3:
0x4b: {  	_ = 	snop;
	(pc) =	sbr.rel @p1 .LBB2_2-.Ltmp3, $4  }
.Ltmp4:
0x4c: {  	_ = 	snop;
	(pc) =	sbr.rel @!p1 .LBB2_5-.Ltmp4, $4  }
0x4d: {  	s31 =	sshll.u32 s26, $0x8  }
0x4e: {  	s0 =	sor.u32 $0x80, s31;
	s24 =	sadd.s32 $0x20, s24;
	s28 =	smov.u32 s30  }
0x4f: {  	[spmem:s1] =	stream.indirect.scatter.add.f32 [tilespmem:s25], [sflag:$0x3], $0x80, s0, s19, $0xb8;
	[tilespmem:$0x18B80] =	vst v63  }
0x50: {  	_ = 	snop  }
.LBB2_6:
0x51: {  	_ =	sfence.sel $0x180000  }
0x52: {  	[bflag:$0x0] =	sbarrier.arrive $0xFFFF  }
0x53: {  	_ =	strace $0x9000004D  }
0x54: {  	[bflag:$0x2] =	sbarrier.arrive $0xFFFF  }
0x55: {  	p0 =	sne.s32 s3, $0x0;
	s0 =	rddreg [dreg:$0x2]  }
0x56: {  	s0 =	sadd.s32 @!p0 $0x100000, s0  }
0x57: {  	[sflag:s0] =	ssyncadd.tile.s32 @!p0 $0x1;
	_ =	shalt  }
.Lfunc_end2:
_tile_overlayer_lowered:
.L_overlay_start_2:
0x58: {  	(tag) =	ssettag $0x2  }
0x59: {  	s0 =	rddreg [dreg:$0x0];
	s2 =	stileid.u32  }
0x5a: {  	s1 =	rddreg [dreg:$0x1];
	p0 =	sne.s32 s2, $0x0  }
0x5b: {  	s3 =	rddreg [dreg:$0x2];
	[bflag:$0x3] =	sbarrier.arrive $0xFFFF;
	s2 =	simm.s32 @!p0 $0x1C04  }
0x5c: {  	[timem:s3], [sflag:s2] =	dma.local @!p0 [hbm:s0], s1  }
0x5d: {  	s0 =	simm.s32 @!p0 $0x4  }
0x5e: {  	_ =	swait.ge @!p0 [sflag:s0], s1  }
0x5f: {  	s1 =	ssub.s32 @!p0 $0x0, s1;
	[sflag:s0] =	ssyncset.done @!p0 $0x0  }
0x60: {  	[sflag:s0] =	ssyncadd.s32 @!p0 s1  }
0x61: {  	[bflag:$0x3] =	sbarrier.arrive $0xFFFF  }
0x62: {  	_ =	shalt  }

// kernel: kernel.8.cloned.1.call-start
scs
__scs_entry_jumppad:
0x0: {  	(pc) =	sbr.rel $0x88, $3  }
0x1: {  	(tag) =	ssettag $0x0;
	lr =	simm.s32 $0x1  }
0x2: {  	[smem:$0x3F8B] =	sst lr;
	_ =	strace $0xD0000000  }
0x3: {  	_ = 	snop  }
0x4: {  	_ = 	snop  }
0x5: {  	_ = 	snop  }
0x6: {  	_ = 	snop  }
0x7: {  	_ = 	snop  }
__scs_overlays_trampoline_lowered:
0x8: {  	[smem:$0x3F9A] =	sst s0  }
0x9: {  	[smem:$0x3F9B] =	sst s1  }
0xa: {  	[smem:$0x3F9C] =	sst s2  }
0xb: {  	[smem:$0x3F9D] =	sst s3  }
0xc: {  	[smem:$0x3F9E] =	sst s4  }
0xd: {  	[smem:$0x3F9F] =	sst s5  }
0xe: {  	[smem:$0x3FA0] =	sst s6  }
0xf: {  	[smem:$0x3FA1] =	sst s7  }
0x10: {  	[smem:$0x3FA2] =	sst s8  }
0x11: {  	[smem:$0x3FA3] =	sst s9;
	s0 =	simm.s32 @!p0 $0x0  }
0x12: {  	s1 =	sld [smem:$0x3F89];
	s0 =	simm.s32 @p0 $0x1  }
0x13: {  	[smem:$0x3FA4] =	sst s0;
	s0 =	simm.s32 @!p1 $0x0  }
0x14: {  	s2 =	sld [smem:$0x3F88];
	s0 =	simm.s32 @p1 $0x1  }
0x15: {  	[smem:$0x3FA5] =	sst s0;
	s0 =	simm.s32 @!p2 $0x0  }
0x16: {  	s3 =	sld [smem:$0x3FDB];
	s0 =	simm.s32 @p2 $0x1  }
0x17: {  	s4 =	simm.s32 $0x1BF5;
	[smem:$0x3FA7] =	sst s0  }
0x18: {  	s0 =	sld [smem:$0x3F8A];
	_ =	swait.ge [sflag:s4], $0x0  }
0x19: {  	s7 =	sld [smem:$0x3F8B]  }
0x1a: {  	s8 =	sadd.s32 $0xFFFFE003, lr  }
0x1b: {  	s9 =	sadd.s32 $0xFFFFFEF7, lr;
	s5 =	simm.s32 $0xFFFFFFFF;
	p2 =	slt.u32 s8, $0xFFFFF086  }
0x1c: {  	p1 =	slt.u32 s9, $0xF7A;
	s5 =	simm.s32 @!p2 $0x0  }
0x1d: {  	s5 =	simm.s32 @p1 $0x1;
	p0 =	seq.s32 s7, s2  }
0x1e: {  	s7 =	smul.u32 @!p0 $0xF7A, s2;
	p2 =	seq.s32 @!p0 s5, $0x0  }
0x1f: {  	s9 =	smul.u32 $0xF7A, s1;
	s8 =	simm.s32 @!p0 $0x1BF5;
	p2 =	por !p2, p0  }
0x20: {  	[sflag:s8] =	ssyncset.s32 @!p0 $0xFFFFF086;
	s6 =	sadd.s32 @!p0 s3, s7;
	s7 =	simm.s32 @!p0 $0x108  }
0x21: {  	s3 =	sadd.s32 s3, s9;
	s6 =	sadd.s32 @!p0 $0x88, s6;
	s7 =	simm.s32 @p2 $0x1082  }
0x22: {  	[simem:s7], [sflag:s8] =	dma.local @!p0 [hbm:s6], $0xF7A  }
0x23: {  	s9 =	sor.u32 $0xD0000000, s2;
	s6 =	simm.s32 $0x108;
	_ =	swait.ge @!p0 [sflag:s8], $0x0  }
0x24: {  	s3 =	sadd.s32 $0x88, s3;
	s6 =	simm.s32 @!p1 $0x1082;
	[sflag:s4] =	ssyncset.s32 $0xFFFFF086  }
0x25: {  	[simem:s6], [sflag:s4] =	dma.local [hbm:s3], $0xF7A  }
0x26: {  	[smem:$0x3F8B] =	sst s1;
	(tag) =	ssettag s2;
	_ =	strace s9  }
0x27: {  	s1 =	sld [smem:$0x3F9B]  }
0x28: {  	s2 =	sld [smem:$0x3F9C]  }
0x29: {  	s4 =	sld [smem:$0x3F9E]  }
0x2a: {  	p0 =	seq.s32 s5, $0x0;
	s5 =	sld [smem:$0x3F9F]  }
0x2b: {  	s6 =	sld [smem:$0x3FA0]  }
0x2c: {  	s7 =	sld [smem:$0x3FA1]  }
0x2d: {  	s3 =	simm.s32 $0x108;
	s8 =	sld [smem:$0x3FA2]  }
0x2e: {  	s3 =	simm.s32 @!p0 $0x1082;
	s9 =	sld [smem:$0x3FA3]  }
0x2f: {  	lr =	sadd.s32 s0, s3;
	s0 =	sld [smem:$0x3F9A]  }
0x30: {  	s3 =	sld [smem:$0x3F9D]  }
0x31: {  	[smem:$0x3FA6] =	sst s10  }
0x32: {  	s10 =	sld [smem:$0x3FA4];
	_ =	sdelay $0x3  }
0x33: {  	p0 =	seq.s32 s10, $0x1;
	s10 =	sld [smem:$0x3FA6];
	_ =	sdelay $0x3  }
0x34: {  	[smem:$0x3FA6] =	sst s10  }
0x35: {  	s10 =	sld [smem:$0x3FA5];
	_ =	sdelay $0x3  }
0x36: {  	p1 =	seq.s32 s10, $0x1;
	s10 =	sld [smem:$0x3FA6];
	_ =	sdelay $0x3  }
0x37: {  	[smem:$0x3FA6] =	sst s10  }
0x38: {  	s10 =	sld [smem:$0x3FA7]  }
0x39: {  	_ = 	snop;
	(pc) =	sbr.ind lr, $3  }
0x3a: {  	_ = 	snop  }
0x3b: {  	_ = 	snop  }
0x3c: {  	p2 =	seq.s32 s10, $0x1;
	s10 =	sld [smem:$0x3FA6]  }
0x3d: {  	_ =	shalt  }
0x3e: {  	_ =	shalt  }
0x3f: {  	_ =	shalt  }
0x40: {  	_ =	shalt  }
0x41: {  	_ =	shalt  }
0x42: {  	_ =	shalt  }
0x43: {  	_ =	shalt  }
0x44: {  	_ =	shalt  }
0x45: {  	_ =	shalt  }
0x46: {  	_ =	shalt  }
0x47: {  	_ =	shalt  }
0x48: {  	_ =	shalt  }
0x49: {  	_ =	shalt  }
0x4a: {  	_ =	shalt  }
0x4b: {  	_ =	shalt  }
0x4c: {  	_ =	shalt  }
0x4d: {  	_ =	shalt  }
0x4e: {  	_ =	shalt  }
0x4f: {  	_ =	shalt  }
0x50: {  	_ =	shalt  }
0x51: {  	_ =	shalt  }
0x52: {  	_ =	shalt  }
0x53: {  	_ =	shalt  }
0x54: {  	_ =	shalt  }
0x55: {  	_ =	shalt  }
0x56: {  	_ =	shalt  }
0x57: {  	_ =	shalt  }
0x58: {  	_ =	shalt  }
0x59: {  	_ =	shalt  }
0x5a: {  	_ =	shalt  }
0x5b: {  	_ =	shalt  }
0x5c: {  	_ =	shalt  }
0x5d: {  	_ =	shalt  }
0x5e: {  	_ =	shalt  }
0x5f: {  	_ =	shalt  }
0x60: {  	_ =	shalt  }
0x61: {  	_ =	shalt  }
0x62: {  	_ =	shalt  }
0x63: {  	_ =	shalt  }
0x64: {  	_ =	shalt  }
0x65: {  	_ =	shalt  }
0x66: {  	_ =	shalt  }
0x67: {  	_ =	shalt  }
0x68: {  	_ =	shalt  }
0x69: {  	_ =	shalt  }
0x6a: {  	_ =	shalt  }
0x6b: {  	_ =	shalt  }
0x6c: {  	_ =	shalt  }
0x6d: {  	_ =	shalt  }
0x6e: {  	_ =	shalt  }
0x6f: {  	_ =	shalt  }
0x70: {  	_ =	shalt  }
0x71: {  	_ =	shalt  }
0x72: {  	_ =	shalt  }
0x73: {  	_ =	shalt  }
0x74: {  	_ =	shalt  }
0x75: {  	_ =	shalt  }
0x76: {  	_ =	shalt  }
0x77: {  	_ =	shalt  }
0x78: {  	_ =	shalt  }
0x79: {  	_ =	shalt  }
0x7a: {  	_ =	shalt  }
0x7b: {  	_ =	shalt  }
0x7c: {  	_ =	shalt  }
0x7d: {  	_ =	shalt  }
0x7e: {  	_ =	shalt  }
0x7f: {  	_ =	shalt  }
0x80: {  	_ =	shalt  }
0x81: {  	_ =	shalt  }
0x82: {  	_ =	shalt  }
0x83: {  	_ =	shalt  }
0x84: {  	_ =	shalt  }
0x85: {  	_ =	shalt  }
0x86: {  	_ =	shalt  }
0x87: {  	_ =	shalt  }
.Lfunc_end0:
.L_simem_size_0:
called_computation_lowered:
.L_overlay_start_0:
0x88: {  	s2 =	sld [smem:$0x3FD9]  }
0x89: {  	s3 =	sld [smem:$0x3FFE];
	_ =	sdelay $0x1  }
0x8a: {  	s1 =	srdreg.scid  }
0x8b: {  	s0 =	sand.u32 $0x1, s1  }
0x8c: {  	s16 =	sshll.u32 s0, $0xA;
	s2 =	sadd.s32 s3, s2  }
0x8d: {  	s2 =	sadd.s32 s2, s16  }
0x8e: {  	[smem:$0x3FB2] =	sst s2  }
0x8f: {  	_ = 	snop  }
0x90: {  	(tm) =	ssettm $0x1  }
0x91: {  	s17 =	sld [smem:$0x3FFB];
	_ =	sdelay $0x3  }
0x92: {  	_ =	strace s17  }
0x93: {  	s2 =	sld [smem:$0x3FFC];
	_ =	sdelay $0x3  }
0x94: {  	_ =	strace s2  }
0x95: {  	s2 =	sld [smem:$0x3FFD];
	_ =	sdelay $0x3  }
0x96: {  	_ =	strace s2  }
0x97: {  	_ =	strace $0x8FFFFFFF  }
0x98: {  	s18 =	sld [smem:$0x3FDB];
	_ =	sdelay $0x1  }
0x99: {  	s19 =	simm.s32 $_scs_section_size  }
0x9a: {  	s4 =	simm.s32 $_size__tile_overlayer_lowered;
	s5 =	simm.s32 $_tile_overlayer_lowered  }
0x9b: {  	s22 =	simm.s32 $0x1BFF;
	s21 =	sshll.u32 s5, $0x1;
	s2 =	sadd.s32 s19, s18  }
0x9c: {  	s6 =	simm.s32 $0x0;
	s20 =	sshll.u32 s4, $0x1;
	s4 =	sadd.s32 s21, s2  }
0x9d: {  	[timem:s6], [sflag:s22] =	dma.local [hbm:s4], s20  }
0x9e: {  	_ =	swait.ge [sflag:s22], s20  }
0x9f: {  	s3 =	ssub.s32 $0x0, s20;
	[sflag:s22] =	ssyncset.done $0x0  }
0xa0: {  	[sflag:s22] =	ssyncadd.s32 s3;
	_ =	sdelay $0x1  }
0xa1: {  	s23 =	simm.s32 $0x1B8B  }
0xa2: {  	_ =	swait.ge [sflag:s23], $0x1  }
0xa3: {  	[sflag:s23] =	ssyncset.done $0x0  }
0xa4: {  	s25 =	simm.s32 $0x1B8E;
	s24 =	sld [smem:$0x3FFE];
	[sflag:s23] =	ssyncadd.s32 $0xFFFFFFFF  }
0xa5: {  	s26 =	simm.s32 $execute0_lowered;
	[smem:$0x3FD2] =	sst s25  }
0xa6: {  	s4 =	sshll.u32 s26, $0x1;
	_ =	strace $0x80000046;
	[dreg:$0x1] =	wrdreg $0xFFFFFFFF  }
0xa7: {  	s28 =	simm.s32 $_size_execute0_lowered;
	s2 =	sadd.s32 s2, s4;
	[dreg:$0x0] =	wrdreg $0x0  }
0xa8: {  	s4 =	sshll.u32 s28, $0x1;
	[dreg:$0x2] =	wrdreg s2  }
0xa9: {  	[dreg:$0x3] =	wrdreg s4  }
0xaa: {  	[dreg:$0x4] =	wrdreg $0xC0  }
0xab: {  	_ =	task [dreg:s6], $0x5FFFF  }
0xac: {  	[dreg:$0x1] =	wrdreg $0xFFFFFFFF  }
0xad: {  	[dreg:$0x0] =	wrdreg $0x60  }
0xae: {  	[dreg:$0x2] =	wrdreg s24  }
0xaf: {  	[dreg:$0x3] =	wrdreg $0x68000  }
0xb0: {  	[dreg:$0x4] =	wrdreg $0x9  }
0xb1: {  	_ =	task.clear_ibuf [dreg:s6], $0x5FFFF;
	_ =	strace $0x90000046  }
0xb2: {  	s29 =	simm.s32 $0x9;
	_ =	strace $0x80000048  }
0xb3: {  	_ =	swait.ge [sflag:s29], $0x1  }
0xb4: {  	[sflag:s29] =	ssyncadd.s32 $0xFFFFFFFF  }
0xb5: {  	_ =	strace $0x90000048  }
0xb6: {  	_ =	sfence  }
0xb7: {  	s30 =	sld [smem:$0x0];
	_ =	sdelay $0x2  }
0xb8: {  	s31 =	sshll.u32 s1, $0xD;
	s1 =	sshrl.u32 s1, $0x2  }
0xb9: {  	s3 =	sand.u32 $0x4000, s31;
	s1 =	sadd.s32 s1, s30  }
0xba: {  	s0 =	sor.u32 s3, s0;
	s1 =	sshll.u32 s1, $0x11  }
0xbb: {  	s0 =	sor.u32 s1, s0  }
0xbc: {  	s0 =	sadd.s32 $0x8F2B, s0  }
0xbd: {  	[sflag:s0] =	ssyncadd.remote.s32 $0x1  }
0xbe: {  	_ =	sfence.sel $0xFFFF  }
0xbf: {  	[dreg:$0x0] =	wrdreg $0xFFFFFFFF;
	(pc) =	sbr.abs _section_cstart, $3  }
0xc0: {  	[dreg:$0x1] =	wrdreg $0xFFFFFFFF  }
0xc1: {  	_ =	task.clear_ibuf [dreg:s6], $0x2FFFF;
	_ =	strace $0x9FFFFFFF  }
0xc2: {  	(tm) =	ssettm $0x7FFFFFFF  }
0xc3: {  	_ =	shalt  }
tec
execute0_lowered:
.L_overlay_start_1:
0x0: {  	(tag) =	ssettag $0x1  }
0x1: {  	s7 =	rddreg [dreg:$0x0]  }
0x2: {  	s1 =	rddreg [dreg:$0x1]  }
0x3: {  	s0 =	rddreg [dreg:$0x2]  }
0x4: {  	s3 =	simm.s32 $0x0;
	s2 =	stileid.u32;
	s5 =	srdreg.scid  }
0x5: {  	s16 =	simm.s32 $0x50;
	s17 =	simm.s32 $0x80;
	s18 =	simm.s32 $0x100  }
0x6: {  	s19 =	simm.s32 $0x180;
	s20 =	simm.s32 $0x1;
	s21 =	simm.s32 $0x0  }
0x7: {  	[smem:$0x7FF] =	sst s3;
	s4 =	sadd.s32 $0x15C00, s7;
	s25 =	smul.u32 $0x4E000, s2  }
0x8: {  	s6 =	sshll.u32 s2, $0xB;
	s8 =	sand.u32 $0x1, s5;
	s10 =	smul.u32 $0x13800, s2  }
0x9: {  	s11 =	sadd.s32 $0x3CE00, s7;
	s29 =	sshll.u32 s2, $0x6;
	s15 =	sadd.s32 $0x138000, s1  }
0xa: {  	p0 =	sne.s32 s2, $0xF;
	_ =	strace $0x80000047;
	s9 =	sadd.s32 s6, s7  }
0xb: {  	s26 =	ssub.s32 $0x2, s8;
	s14 =	smul.u32 $0x138800, s8;
	s6 =	sor.u32 $0x1C02, s29  }
0xc: {  	s7 =	sadd.s32 $0x3CC00, s7;
	s8 =	sshll.u32 s8, $0xF;
	s12 =	sshrl.u32 s26, $0x1  }
0xd: {  	s5 =	sshrl.u32 s25, $0x2;
	s28 =	sshrl.u32 s10, $0x3;
	s8 =	sadd.s32 s8, s9  }
0xe: {  	s12 =	ssub.s32 s26, s12;
	s13 =	sadd.s32 s5, s1;
	s5 =	sadd.s32 s4, s28  }
0xf: {  	s10 =	sadd.s32 s10, s14;
	s14 =	sshrl.u32 s14, $0x3;
	s8 =	sadd.s32 $0x5C00, s8  }
0x10: {  	s30 =	sshrl.u32 s10, $0x3;
	s31 =	sadd.s32 s11, s14;
	s14 =	sshrl.u32 @!p0 s15, $0x3  }
0x11: {  	s15 =	simm.s32 $0x4000;
	s9 =	sadd.s32 s11, s30;
	s10 =	sadd.s32 $0x27000, s31  }
0x12: {  	s11 =	smax.u32 s12, $0x1;
	s12 =	sshrl.u32 s13, $0x3;
	s13 =	simm.s32 $0x2  }
.LBB2_1:
0x13: {  	[spmem:s12], [sflag:s6] =	dma.local [hbm:s5], $0x2700  }
0x14: {  	_ =	swait.ge [sflag:s13], $0x2700  }
0x15: {  	[sflag:s13] =	ssyncset.done $0x0  }
0x16: {  	s22 =	simm.s32 @!p0 $0x2;
	[sflag:s13] =	ssyncadd.s32 $0xFFFFD900  }
0x17: {  	[spmem:s14], [sflag:s6] =	dma.local @!p0 [hbm:s7], $0x100  }
0x18: {  	_ =	swait.ge @!p0 [sflag:s22], $0x100  }
0x19: {  	[sflag:s22] =	ssyncset.done @!p0 $0x0  }
0x1a: {  	[sflag:s22] =	ssyncadd.s32 @!p0 $0xFFFFFF00  }
0x1b: {  	[tilespmem:s3], [sflag:$0x2] =	stream.linear.gather [hbm4b:s8+s3], $0x3E80, $0x38;
	[tilespmem:$0x8F10] =	vst v63  }
0x1c: {  	_ =	swait.ge [sflag:s13], $0x3E80  }
0x1d: {  	[sflag:s13] =	ssyncset.done $0x0  }
0x1e: {  	[sflag:s13] =	ssyncadd.s32 $0xFFFFC180  }
0x1f: {  	[tilespmem:s15], [sflag:$0x2] =	stream.linear.gather [hbm4b:s4+s3], $0x2800, $0x38;
	[tilespmem:$0x8F10] =	vst v63  }
0x20: {  	_ =	swait.ge [sflag:s13], $0x2800  }
0x21: {  	[sflag:s13] =	ssyncset.done $0x0  }
0x22: {  	[sflag:s13] =	ssyncadd.s32 $0xFFFFD800  }
0x23: {  	[bflag:$0x0] =	sbarrier.arrive $0xFFFF  }
0x24: {  	[spmem:s1] =	stream.indirect.scatter.add.f32 [tilespmem:s15], [sflag:$0x1], $0x10, s3, s16, $0xb8;
	[tilespmem:$0x8F10] =	vst v63  }
0x25: {  	_ = 	snop  }
0x26: {  	[spmem:s1] =	stream.indirect.scatter.add.f32 [tilespmem:s15], [sflag:$0x1], $0x10, s17, s16, $0xb8;
	[tilespmem:$0x8F10] =	vst v63  }
0x27: {  	_ = 	snop  }
0x28: {  	[spmem:s1] =	stream.indirect.scatter.add.f32 [tilespmem:s15], [sflag:$0x1], $0x10, s18, s16, $0xb8;
	[tilespmem:$0x8F10] =	vst v63  }
0x29: {  	_ = 	snop  }
0x2a: {  	[spmem:s1] =	stream.indirect.scatter.add.f32 [tilespmem:s15], [sflag:$0x1], $0x10, s19, s16, $0xb8;
	[tilespmem:$0x8F10] =	vst v63  }
0x2b: {  	s31 =	simm.s32 $0x200  }
0x2c: {  	[spmem:s1] =	stream.indirect.scatter.add.f32 [tilespmem:s15], [sflag:$0x1], $0x10, s31, s16, $0xb8;
	[tilespmem:$0x8F10] =	vst v63  }
0x2d: {  	_ =	swait.ge [sflag:s20], $0x500  }
0x2e: {  	s22 =	simm.s32 $0xA00;
	[sflag:s20] =	ssyncset.done $0x0  }
.LBB2_2:
0x2f: {  	s23 =	sshra.s32 s22, $0x2;
	[sflag:s20] =	ssyncadd.s32 $0xFFFFFB00;
	p1 =	sne.s32 s22, $0xF800  }
0x30: {  	[spmem:s1] =	stream.indirect.scatter.add.f32 [tilespmem:s15], [sflag:$0x1], $0x10, s23, s16, $0xb8;
	[tilespmem:$0x8F10] =	vst v63  }
.Ltmp0:
0x31: {  	_ = 	snop;
	(pc) =	sbr.rel @p1 .LBB2_2-.Ltmp0, $4  }
0x32: {  	_ = 	snop  }
0x33: {  	s22 =	sadd.s32 $0x200, s22  }
0x34: {  	_ =	swait.ge [sflag:s20], $0x500  }
0x35: {  	[sflag:s20] =	ssyncset.done $0x0  }
0x36: {  	[sflag:s20] =	ssyncadd.s32 $0xFFFFFB00  }
0x37: {  	_ =	swait.ge [sflag:s20], $0x500  }
0x38: {  	[sflag:s20] =	ssyncset.done $0x0  }
0x39: {  	[sflag:s20] =	ssyncadd.s32 $0xFFFFFB00  }
0x3a: {  	_ =	swait.ge [sflag:s20], $0x500  }
0x3b: {  	[sflag:s20] =	ssyncset.done $0x0  }
0x3c: {  	[sflag:s20] =	ssyncadd.s32 $0xFFFFFB00  }
0x3d: {  	_ =	swait.ge [sflag:s20], $0x500  }
0x3e: {  	[sflag:s20] =	ssyncset.done $0x0  }
0x3f: {  	[sflag:s20] =	ssyncadd.s32 $0xFFFFFB00  }
0x40: {  	_ =	swait.ge [sflag:s20], $0x500  }
0x41: {  	[sflag:s20] =	ssyncset.done $0x0  }
0x42: {  	[sflag:s20] =	ssyncadd.s32 $0xFFFFFB00  }
0x43: {  	[bflag:$0x0] =	sbarrier.arrive $0xFFFF  }
0x44: {  	[hbm:s9], [sflag:s6] =	dma.local [spmem:s12], $0x2700  }
0x45: {  	s21 =	sadd.s32 $0x1, s21;
	_ =	swait.ge [sflag:s13], $0x2700  }
0x46: {  	p1 =	sne.s32 s21, s11;
	[sflag:s13] =	ssyncset.done $0x0  }
.Ltmp1:
0x47: {  	s22 =	simm.s32 @!p0 $0x2;
	[sflag:s13] =	ssyncadd.s32 $0xFFFFD900;
	(pc) =	sbr.rel @p1 .LBB2_1-.Ltmp1, $4  }
0x48: {  	[hbm:s10], [sflag:s6] =	dma.local @!p0 [spmem:s14], $0x100  }
0x49: {  	_ =	swait.ge @!p0 [sflag:s22], $0x100  }
0x4a: {  	[sflag:s22] =	ssyncset.done @!p0 $0x0  }
0x4b: {  	[sflag:s22] =	ssyncadd.s32 @!p0 $0xFFFFFF00  }
0x4c: {  	_ =	sfence.sel $0x180000  }
0x4d: {  	[bflag:$0x0] =	sbarrier.arrive $0xFFFF  }
0x4e: {  	p0 =	sne.s32 s2, $0x0;
	_ =	strace $0x90000047  }
0x4f: {  	s0 =	sadd.s32 @!p0 $0x100000, s0;
	[bflag:$0x2] =	sbarrier.arrive $0xFFFF  }
0x50: {  	[sflag:s0] =	ssyncadd.tile.s32 @!p0 $0x1;
	_ =	shalt  }
.Lfunc_end2:
_tile_overlayer_lowered:
.L_overlay_start_2:
0x51: {  	(tag) =	ssettag $0x2  }
0x52: {  	s0 =	rddreg [dreg:$0x0];
	s2 =	stileid.u32  }
0x53: {  	s1 =	rddreg [dreg:$0x1];
	p0 =	sne.s32 s2, $0x0  }
0x54: {  	s3 =	rddreg [dreg:$0x2];
	[bflag:$0x3] =	sbarrier.arrive $0xFFFF;
	s2 =	simm.s32 @!p0 $0x1C02  }
0x55: {  	[timem:s3], [sflag:s2] =	dma.local @!p0 [hbm:s0], s1  }
0x56: {  	s0 =	simm.s32 @!p0 $0x2  }
0x57: {  	_ =	swait.ge @!p0 [sflag:s0], s1  }
0x58: {  	s1 =	ssub.s32 @!p0 $0x0, s1;
	[sflag:s0] =	ssyncset.done @!p0 $0x0  }
0x59: {  	[sflag:s0] =	ssyncadd.s32 @!p0 s1  }
0x5a: {  	[bflag:$0x3] =	sbarrier.arrive $0xFFFF  }
0x5b: {  	_ =	shalt  }

</sc_bundles>
